<compile_context>
chip_gen: v7x
topology: tpu7x:2x2x1
jax: 0.10.2.dev20260603
libtpu: 0.0.44.dev20260713+nightly
codegen_flags: <defaults>
</compile_context>

<pallas_src>
import functools

import jax
import jax.numpy as jnp
from jax import lax
from jax.experimental import pallas as pl
from jax.experimental.pallas import tpu as pltpu
from jax.experimental.pallas import tpu_sc as plsc

N = 32768
B = 16
F2 = 64
NC = 2
NS = 16
NW = NC * NS

ENC_BLK = 4096
GRID = N // ENC_BLK
ROWS = N // 2
CHUNK = 1024


def _encoder_body(coords_ref, feats_ref, w1a_ref, b1a_ref, w1b_ref, b1b_ref,
                  w2_ref, b2_ref, out_ref, bi_ref, bip_ref):
    x = feats_ref[...]
    cn = (((0,), (0,)), ((), ()))
    h = lax.dot_general(w1a_ref[...], x, cn, preferred_element_type=jnp.float32)
    h = jnp.maximum(h + jnp.transpose(b1a_ref[...]), 0.0)
    h = lax.dot_general(w1b_ref[...], h, cn, preferred_element_type=jnp.float32)
    h = jnp.maximum(h + jnp.transpose(b1b_ref[...]), 0.0)
    w2 = w2_ref[...]
    b2 = b2_ref[...]
    ha = lax.dot_general(h[:, :ENC_BLK // 2], w2, cn,
                         preferred_element_type=jnp.float32)
    hb = lax.dot_general(h[:, ENC_BLK // 2:], w2, cn,
                         preferred_element_type=jnp.float32)
    out_ref[:, :F2] = jnp.maximum(ha + b2, 0.0)
    out_ref[:, F2:] = jnp.maximum(hb + b2, 0.0)
    bi = coords_ref[...][0, :].reshape(ENC_BLK // 128, 128)
    bi_ref[...] = bi
    shp = (ENC_BLK // 128, 128)
    r = (lax.broadcasted_iota(jnp.int32, shp, 0) * 128
         + lax.broadcasted_iota(jnp.int32, shp, 1))
    wid = (r // (ENC_BLK // 2)) * 16 + 2 * pl.program_id(0) + (
        (r % (ENC_BLK // 2)) // CHUNK)
    bip_ref[...] = bi + (wid // NC) * B


def _encoder(coords, feats, W1a, b1a, W1b, b1b, W2, b2):
    full = lambda shape: pl.BlockSpec(shape, lambda i: (0, 0))
    return pl.pallas_call(
        _encoder_body,
        grid=(GRID,),
        in_specs=[
            pl.BlockSpec((3, ENC_BLK), lambda i: (0, i)),
            pl.BlockSpec((8, ENC_BLK), lambda i: (0, i)),
            full((8, 16)), full((1, 16)),
            full((16, 32)), full((1, 32)),
            full((32, 64)), full((1, 64)),
        ],
        out_specs=(
            pl.BlockSpec((ENC_BLK // 2, 128), lambda i: (i, 0)),
            pl.BlockSpec((ENC_BLK // 128, 128), lambda i: (i, 0)),
            pl.BlockSpec((ENC_BLK // 128, 128), lambda i: (i, 0)),
        ),
        out_shape=(
            jax.ShapeDtypeStruct((ROWS, 128), jnp.float32),
            jax.ShapeDtypeStruct((N // 128, 128), jnp.int32),
            jax.ShapeDtypeStruct((N // 128, 128), jnp.int32),
        ),
    )(coords.T, feats.T, W1a, b1a.reshape(1, 16), W1b, b1b.reshape(1, 32),
      W2, b2.reshape(1, 64))


def _pool_body(bip_hbm, f2_hbm, out_hbm, idx_v, rows_v, zer_v, shared):
    c = lax.axis_index("c")
    s = lax.axis_index("s")
    wid = s * NC + c
    half = wid // 16
    t = wid % 16
    row0 = t * CHUNK
    p0 = (t // 2) * ENC_BLK + half * (ENC_BLK // 2) + (t % 2) * CHUNK

    pltpu.sync_copy(bip_hbm.at[pl.ds(p0, CHUNK)], idx_v)
    pltpu.sync_copy(f2_hbm.at[pl.ds(row0, CHUNK), pl.ds(half * F2, F2)],
                    rows_v)

    zero = jnp.zeros((16,), jnp.float32)
    for i in range(B):
        for j in range(F2 // 16):
            zer_v[i, pl.ds(j * 16, 16)] = zero
    pltpu.sync_copy(zer_v, shared.at[pl.ds(s * B, B), :])

    pltpu.sync_copy(rows_v, shared.at[idx_v], add=True)

    pltpu.sync_copy(shared.at[pl.ds(s * B, B), :],
                    out_hbm.at[pl.ds(wid * B, B), :])


def _pool(batch_idx_flat, f2_rows):
    mesh = plsc.VectorSubcoreMesh(core_axis_name="c", subcore_axis_name="s")
    f = functools.partial(
        pl.kernel,
        out_type=jax.ShapeDtypeStruct((NW * B, F2), jnp.float32),
        mesh=mesh,
        scratch_types=[
            pltpu.VMEM((CHUNK,), jnp.int32),
            pltpu.VMEM((CHUNK, F2), jnp.float32),
            pltpu.VMEM((B, F2), jnp.float32),
            pltpu.VMEM_SHARED((NS * B, F2), jnp.float32),
        ],
        compiler_params=pltpu.CompilerParams(use_tc_tiling_on_sc=False),
    )(_pool_body)
    return f(batch_idx_flat, f2_rows)


def _head_body(part_ref, bi_ref, wh1_ref, bh1_ref, wh2t_ref, bh2_ref, out_ref):
    x = part_ref[...]
    nr = NW * B // 2
    r = lax.broadcasted_iota(jnp.int32, (B, nr), 1)
    bcol = lax.broadcasted_iota(jnp.int32, (B, nr), 0)
    sel_e = ((2 * r) % B == bcol).astype(jnp.float32)
    sel_o = ((2 * r + 1) % B == bcol).astype(jnp.float32)
    se = jnp.dot(sel_e, x, preferred_element_type=jnp.float32)
    so = jnp.dot(sel_o, x, preferred_element_type=jnp.float32)
    sums = se[:, :F2] + so[:, F2:]
    bi = bi_ref[...]
    counts = [jnp.sum(jnp.where(bi == b, 1.0, 0.0)) for b in range(B)]
    counts = jnp.stack(counts).reshape(B, 1)
    z = sums / jnp.maximum(counts, 1.0)
    h = jnp.dot(z, wh1_ref[...], preferred_element_type=jnp.float32)
    h = jnp.maximum(h + bh1_ref[...], 0.0)
    cn = (((1,), (1,)), ((), ()))
    out_ref[...] = (lax.dot_general(h, wh2t_ref[...], cn,
                                    preferred_element_type=jnp.float32)
                    + bh2_ref[...])


def _head(partials, bi_arr, Wh1, bh1, Wh2, bh2):
    return pl.pallas_call(
        _head_body,
        out_shape=jax.ShapeDtypeStruct((B, 2), jnp.float32),
    )(partials.reshape(NW * B // 2, 128), bi_arr,
      Wh1, bh1.reshape(1, 64), Wh2.T, bh2.reshape(1, 2))


def kernel(coords, feats, W1a, b1a, W1b, b1b, W2, b2, Wh1, bh1, Wh2, bh2):
    f2p, bip, bipre = _encoder(coords, feats, W1a, b1a, W1b, b1b, W2, b2)
    partials = _pool(bipre.reshape(N), f2p)
    return _head(partials, bip, Wh1, bh1, Wh2, bh2)

# --- scband reference (transcript-rebuilt; emitter-appended) ---
"""Pipeline reference for scband-sparse-event-classifier-50354196578900 (READ-ONLY COPY).

The authoritative reference and input builder live on the scoring server;
editing this copy changes nothing except your own understanding.
"""

import jax, jax.numpy as jnp
import numpy as np

N = 32768
B_MAX = 16

def setup_inputs(seed: int = 0) -> dict:
    key = jax.random.key(seed)
    ks = jax.random.split(key, 12)
    coords = jax.random.randint(ks[0], (N, 3), 0, B_MAX)  # column 0 is the batch index
    feats = jax.random.normal(ks[1], (N, 8), dtype=jnp.float32)
    # Encoder1: 8 -> 16 -> 32 (frozen pretrained, modeled as pointwise MLP)
    W1a = jax.random.normal(ks[2], (8, 16), dtype=jnp.float32) / np.sqrt(8.0)
    b1a = jnp.zeros((16,), dtype=jnp.float32)
    W1b = jax.random.normal(ks[3], (16, 32), dtype=jnp.float32) / np.sqrt(16.0)
    b1b = jnp.zeros((32,), dtype=jnp.float32)
    # Encoder2: 32 -> 64 (frozen pretrained)
    W2 = jax.random.normal(ks[4], (32, 64), dtype=jnp.float32) / np.sqrt(32.0)
    b2 = jnp.zeros((64,), dtype=jnp.float32)
    # Classification head: 64 -> 64 -> num_classes (=2)
    Wh1 = jax.random.normal(ks[5], (64, 64), dtype=jnp.float32) / np.sqrt(64.0)
    bh1 = jnp.zeros((64,), dtype=jnp.float32)
    Wh2 = jax.random.normal(ks[6], (64, 2), dtype=jnp.float32) / np.sqrt(64.0)
    bh2 = jnp.zeros((2,), dtype=jnp.float32)
    return {"coords": coords, "feats": feats, "W1a": W1a, "b1a": b1a, "W1b": W1b, "b1b": b1b,
            "W2": W2, "b2": b2, "Wh1": Wh1, "bh1": bh1, "Wh2": Wh2, "bh2": bh2}

def sparse_global_mean_pool(coords, feats, batch_size):
    batch_idx = coords[:, 0]
    sums = jax.ops.segment_sum(feats, batch_idx, num_segments=batch_size)
    counts = jax.ops.segment_sum(jnp.ones((feats.shape[0], 1), dtype=feats.dtype), batch_idx, num_segments=batch_size)
    return sums / jnp.maximum(counts, 1.0)

def reference(coords, feats, W1a, b1a, W1b, b1b, W2, b2, Wh1, bh1, Wh2, bh2):
    batch_size = B_MAX
    # Encoder1 (frozen): 8 -> 16 -> 32
    f1 = jax.nn.relu(feats @ W1a + b1a)
    f1 = jax.nn.relu(f1 @ W1b + b1b)
    # Encoder2 (frozen): 32 -> 64
    f2 = jax.nn.relu(f1 @ W2 + b2)
    # Global mean pool over sparse points by batch index
    z = sparse_global_mean_pool(coords, f2, batch_size)
    # Head: Linear(64,64) -> ReLU -> Dropout(eval: identity) -> Linear(64,num_classes)
    h = jax.nn.relu(z @ Wh1 + bh1)
    logits = h @ Wh2 + bh2
    return logits

if __name__ == "__main__":
    import jax
    _d = setup_inputs()
    print(jax.jit(kernel)(*tuple(_d.values())))

</pallas_src>

<mosaic_0001>
#map = affine_map<(d0, d1) -> (0)>
#map1 = affine_map<(d0, d1) -> (0, 0)>
module attributes {stable_mosaic.version = 14 : i64} {
  func.func @_pool_body(%arg0: i32, %arg1: i32, %arg2: memref<32768xi32, #tpu.memory_space<hbm>>, %arg3: memref<16384x128xf32, #tpu.memory_space<hbm>>, %arg4: memref<512x64xf32, #tpu.memory_space<hbm>>, %arg5: memref<1024xi32, #tpu.memory_space<vmem>>, %arg6: memref<1024x64xf32, #tpu.memory_space<vmem>>, %arg7: memref<16x64xf32, #tpu.memory_space<vmem>>, %arg8: memref<256x64xf32, #tpu.memory_space<vmem_shared>>) attributes {dimension_semantics = [#tpu.dimension_semantics<core_parallel>, #tpu.dimension_semantics<subcore_parallel>], iteration_bounds = array<i64: 2, 16>, scalar_prefetch = 0 : i64, scratch_operands = 4 : i64, tpu.core_type = #tpu.core_type<sc_vector_subcore>, window_params = [{transform_indices = #map}, {transform_indices = #map1}, {transform_indices = #map1}]} {
    %mul3A = arith.constant 2 : i32
    %mul3A_0 = arith.muli %arg1, %mul3A : i32
    %add3A = arith.addi %mul3A_0, %arg0 : i32
    %jit3A = arith.constant 16 : i32
    %div3A = arith.divsi %add3A, %jit3A : i32
    %sign3A = arith.constant 0 : i32
    %sign3A_1 = arith.cmpi sgt, %add3A, %sign3A : i32
    %sign3A_2 = arith.extui %sign3A_1 : i1 to i32
    %sign3A_3 = arith.constant 0 : i32
    %sign3A_4 = arith.cmpi slt, %add3A, %sign3A_3 : i32
    %sign3A_5 = arith.extui %sign3A_4 : i1 to i32
    %sign3A_6 = arith.subi %sign3A_2, %sign3A_5 : i32
    %sign3A_7 = arith.constant 0 : i32
    %sign3A_8 = arith.cmpi sgt, %jit3A, %sign3A_7 : i32
    %sign3A_9 = arith.extui %sign3A_8 : i1 to i32
    %sign3A_10 = arith.constant 0 : i32
    %sign3A_11 = arith.cmpi slt, %jit3A, %sign3A_10 : i32
    %sign3A_12 = arith.extui %sign3A_11 : i1 to i32
    %sign3A_13 = arith.subi %sign3A_9, %sign3A_12 : i32
    %ne3A = arith.cmpi ne, %sign3A_6, %sign3A_13 : i32
    %rem3A = arith.remsi %add3A, %jit3A : i32
    %ne3A_14 = arith.constant 0 : i32
    %ne3A_15 = arith.cmpi ne, %rem3A, %ne3A_14 : i32
    %and3A = arith.andi %ne3A, %ne3A_15 : i1
    %sub3A = arith.constant 1 : i32
    %sub3A_16 = arith.subi %div3A, %sub3A : i32
    %select_n3A = arith.select %and3A, %sub3A_16, %div3A : i32
    %jit3A_17 = arith.constant 16 : i32
    %eq3A = arith.constant 0 : i32
    %eq3A_18 = arith.cmpi eq, %jit3A_17, %eq3A : i32
    %jit3A_19 = arith.constant 1 : i32
    %select_n3A_20 = arith.select %eq3A_18, %jit3A_19, %jit3A_17 : i32
    %rem3A_21 = arith.remsi %add3A, %select_n3A_20 : i32
    %ne3A_22 = arith.constant 0 : i32
    %ne3A_23 = arith.cmpi ne, %rem3A_21, %ne3A_22 : i32
    %lt3A = arith.constant 0 : i32
    %lt3A_24 = arith.cmpi slt, %rem3A_21, %lt3A : i32
    %lt3A_25 = arith.constant 0 : i32
    %lt3A_26 = arith.cmpi slt, %select_n3A_20, %lt3A_25 : i32
    %ne3A_27 = arith.xori %lt3A_24, %lt3A_26 : i1
    %and3A_28 = arith.andi %ne3A_27, %ne3A_23 : i1
    %add3A_29 = arith.addi %rem3A_21, %select_n3A_20 : i32
    %select_n3A_30 = arith.select %and3A_28, %add3A_29, %rem3A_21 : i32
    %mul3A_31 = arith.constant 1024 : i32
    %mul3A_32 = arith.muli %select_n3A_30, %mul3A_31 : i32
    %jit3A_33 = arith.constant 2 : i32
    %div3A_34 = arith.divsi %select_n3A_30, %jit3A_33 : i32
    %sign3A_35 = arith.constant 0 : i32
    %sign3A_36 = arith.cmpi sgt, %select_n3A_30, %sign3A_35 : i32
    %sign3A_37 = arith.extui %sign3A_36 : i1 to i32
    %sign3A_38 = arith.constant 0 : i32
    %sign3A_39 = arith.cmpi slt, %select_n3A_30, %sign3A_38 : i32
    %sign3A_40 = arith.extui %sign3A_39 : i1 to i32
    %sign3A_41 = arith.subi %sign3A_37, %sign3A_40 : i32
    %sign3A_42 = arith.constant 0 : i32
    %sign3A_43 = arith.cmpi sgt, %jit3A_33, %sign3A_42 : i32
    %sign3A_44 = arith.extui %sign3A_43 : i1 to i32
    %sign3A_45 = arith.constant 0 : i32
    %sign3A_46 = arith.cmpi slt, %jit3A_33, %sign3A_45 : i32
    %sign3A_47 = arith.extui %sign3A_46 : i1 to i32
    %sign3A_48 = arith.subi %sign3A_44, %sign3A_47 : i32
    %ne3A_49 = arith.cmpi ne, %sign3A_41, %sign3A_48 : i32
    %rem3A_50 = arith.remsi %select_n3A_30, %jit3A_33 : i32
    %ne3A_51 = arith.constant 0 : i32
    %ne3A_52 = arith.cmpi ne, %rem3A_50, %ne3A_51 : i32
    %and3A_53 = arith.andi %ne3A_49, %ne3A_52 : i1
    %sub3A_54 = arith.constant 1 : i32
    %sub3A_55 = arith.subi %div3A_34, %sub3A_54 : i32
    %select_n3A_56 = arith.select %and3A_53, %sub3A_55, %div3A_34 : i32
    %mul3A_57 = arith.constant 4096 : i32
    %mul3A_58 = arith.muli %select_n3A_56, %mul3A_57 : i32
    %mul3A_59 = arith.constant 2048 : i32
    %mul3A_60 = arith.muli %select_n3A, %mul3A_59 : i32
    %add3A_61 = arith.addi %mul3A_58, %mul3A_60 : i32
    %jit3A_62 = arith.constant 2 : i32
    %eq3A_63 = arith.constant 0 : i32
    %eq3A_64 = arith.cmpi eq, %jit3A_62, %eq3A_63 : i32
    %jit3A_65 = arith.constant 1 : i32
    %select_n3A_66 = arith.select %eq3A_64, %jit3A_65, %jit3A_62 : i32
    %rem3A_67 = arith.remsi %select_n3A_30, %select_n3A_66 : i32
    %ne3A_68 = arith.constant 0 : i32
    %ne3A_69 = arith.cmpi ne, %rem3A_67, %ne3A_68 : i32
    %lt3A_70 = arith.constant 0 : i32
    %lt3A_71 = arith.cmpi slt, %rem3A_67, %lt3A_70 : i32
    %lt3A_72 = arith.constant 0 : i32
    %lt3A_73 = arith.cmpi slt, %select_n3A_66, %lt3A_72 : i32
    %ne3A_74 = arith.xori %lt3A_71, %lt3A_73 : i1
    %and3A_75 = arith.andi %ne3A_74, %ne3A_69 : i1
    %add3A_76 = arith.addi %rem3A_67, %select_n3A_66 : i32
    %select_n3A_77 = arith.select %and3A_75, %add3A_76, %rem3A_67 : i32
    %mul3A_78 = arith.constant 1024 : i32
    %mul3A_79 = arith.muli %select_n3A_77, %mul3A_78 : i32
    %add3A_80 = arith.addi %add3A_61, %mul3A_79 : i32
    "tpu.region"() ({
      %run_scoped3A = tpu.sem_alloc : memref<!tpu.dma_semaphore, #tpu.memory_space<semaphore_mem>>
      %dma_start3A = tpu.memref_slice %arg2[%add3A_80] : memref<32768xi32, #tpu.memory_space<hbm>> -> memref<1024xi32, #tpu.memory_space<hbm>>
      %dma_start3A_473 = tpu.memref_slice %arg2[%add3A_80] : memref<32768xi32, #tpu.memory_space<hbm>> -> memref<1024xi32, #tpu.memory_space<hbm>>
      tpu.enqueue_dma source(%dma_start3A_473 : memref<1024xi32, #tpu.memory_space<hbm>>) target(%arg5 : memref<1024xi32, #tpu.memory_space<vmem>>) target_semaphore(%run_scoped3A : memref<!tpu.dma_semaphore, #tpu.memory_space<semaphore_mem>>)
      %dma_wait3A = tpu.memref_slice %arg2[%add3A_80] : memref<32768xi32, #tpu.memory_space<hbm>> -> memref<1024xi32, #tpu.memory_space<hbm>>
      %dma_wait3A_474 = tpu.memref_slice %arg2[%add3A_80] : memref<32768xi32, #tpu.memory_space<hbm>> -> memref<1024xi32, #tpu.memory_space<hbm>>
      tpu.wait_dma2 semaphore(%run_scoped3A : memref<!tpu.dma_semaphore, #tpu.memory_space<semaphore_mem>>) src(%dma_wait3A_474 : memref<1024xi32, #tpu.memory_space<hbm>>) dst(%arg5 : memref<1024xi32, #tpu.memory_space<vmem>>)
      tpu.yield
    }) : () -> ()
    %mul3A_81 = arith.constant 64 : i32
    %mul3A_82 = arith.muli %select_n3A, %mul3A_81 : i32
    "tpu.region"() ({
      %run_scoped3A = tpu.sem_alloc : memref<!tpu.dma_semaphore, #tpu.memory_space<semaphore_mem>>
      %dma_start3A = tpu.memref_slice %arg3[%mul3A_32, %mul3A_82] : memref<16384x128xf32, #tpu.memory_space<hbm>> -> memref<1024x64xf32, #tpu.memory_space<hbm>>
      %dma_start3A_473 = tpu.memref_slice %arg3[%mul3A_32, %mul3A_82] : memref<16384x128xf32, #tpu.memory_space<hbm>> -> memref<1024x64xf32, #tpu.memory_space<hbm>>
      tpu.enqueue_dma source(%dma_start3A_473 : memref<1024x64xf32, #tpu.memory_space<hbm>>) target(%arg6 : memref<1024x64xf32, #tpu.memory_space<vmem>>) target_semaphore(%run_scoped3A : memref<!tpu.dma_semaphore, #tpu.memory_space<semaphore_mem>>)
      %dma_wait3A = tpu.memref_slice %arg3[%mul3A_32, %mul3A_82] : memref<16384x128xf32, #tpu.memory_space<hbm>> -> memref<1024x64xf32, #tpu.memory_space<hbm>>
      %dma_wait3A_474 = tpu.memref_slice %arg3[%mul3A_32, %mul3A_82] : memref<16384x128xf32, #tpu.memory_space<hbm>> -> memref<1024x64xf32, #tpu.memory_space<hbm>>
      tpu.wait_dma2 semaphore(%run_scoped3A : memref<!tpu.dma_semaphore, #tpu.memory_space<semaphore_mem>>) src(%dma_wait3A_474 : memref<1024x64xf32, #tpu.memory_space<hbm>>) dst(%arg6 : memref<1024x64xf32, #tpu.memory_space<vmem>>)
      tpu.yield
    }) : () -> ()
    %broadcast_in_dim3A = arith.constant 0.000000e+00 : f32
    %broadcast_in_dim3A_83 = vector.broadcast %broadcast_in_dim3A : f32 to vector<16xf32>
    %swap3A = arith.constant 0 : i32
    %swap3A_84 = arith.index_cast %swap3A : i32 to index
    %swap3A_85 = arith.constant 0 : index
    %swap3A_86 = tpu.vector_load %arg7[%swap3A_84, %swap3A_85] {strides = array<i32>} : memref<16x64xf32, #tpu.memory_space<vmem>>, vector<1x16xf32>,
    %swap3A_87 = vector.shape_cast %swap3A_86 : vector<1x16xf32> to vector<16xf32>
    %swap3A_88 = vector.shape_cast %broadcast_in_dim3A_83 : vector<16xf32> to vector<1x16xf32>
    tpu.vector_store %arg7[%swap3A_84, %swap3A_85], %swap3A_88 {strides = array<i32>} : memref<16x64xf32, #tpu.memory_space<vmem>>, vector<1x16xf32>,
    %swap3A_89 = arith.constant 0 : i32
    %swap3A_90 = arith.index_cast %swap3A_89 : i32 to index
    %swap3A_91 = arith.constant 16 : index
    %swap3A_92 = tpu.vector_load %arg7[%swap3A_90, %swap3A_91] {strides = array<i32>} : memref<16x64xf32, #tpu.memory_space<vmem>>, vector<1x16xf32>,
    %swap3A_93 = vector.shape_cast %swap3A_92 : vector<1x16xf32> to vector<16xf32>
    %swap3A_94 = vector.shape_cast %broadcast_in_dim3A_83 : vector<16xf32> to vector<1x16xf32>
    tpu.vector_store %arg7[%swap3A_90, %swap3A_91], %swap3A_94 {strides = array<i32>} : memref<16x64xf32, #tpu.memory_space<vmem>>, vector<1x16xf32>,
    %swap3A_95 = arith.constant 0 : i32
    %swap3A_96 = arith.index_cast %swap3A_95 : i32 to index
    %swap3A_97 = arith.constant 32 : index
    %swap3A_98 = tpu.vector_load %arg7[%swap3A_96, %swap3A_97] {strides = array<i32>} : memref<16x64xf32, #tpu.memory_space<vmem>>, vector<1x16xf32>,
    %swap3A_99 = vector.shape_cast %swap3A_98 : vector<1x16xf32> to vector<16xf32>
    %swap3A_100 = vector.shape_cast %broadcast_in_dim3A_83 : vector<16xf32> to vector<1x16xf32>
    tpu.vector_store %arg7[%swap3A_96, %swap3A_97], %swap3A_100 {strides = array<i32>} : memref<16x64xf32, #tpu.memory_space<vmem>>, vector<1x16xf32>,
    %swap3A_101 = arith.constant 0 : i32
    %swap3A_102 = arith.index_cast %swap3A_101 : i32 to index
    %swap3A_103 = arith.constant 48 : index
    %swap3A_104 = tpu.vector_load %arg7[%swap3A_102, %swap3A_103] {strides = array<i32>} : memref<16x64xf32, #tpu.memory_space<vmem>>, vector<1x16xf32>,
    %swap3A_105 = vector.shape_cast %swap3A_104 : vector<1x16xf32> to vector<16xf32>
    %swap3A_106 = vector.shape_cast %broadcast_in_dim3A_83 : vector<16xf32> to vector<1x16xf32>
    tpu.vector_store %arg7[%swap3A_102, %swap3A_103], %swap3A_106 {strides = array<i32>} : memref<16x64xf32, #tpu.memory_space<vmem>>, vector<1x16xf32>,
    %swap3A_107 = arith.constant 1 : i32
    %swap3A_108 = arith.index_cast %swap3A_107 : i32 to index
    %swap3A_109 = arith.constant 0 : index
    %swap3A_110 = tpu.vector_load %arg7[%swap3A_108, %swap3A_109] {strides = array<i32>} : memref<16x64xf32, #tpu.memory_space<vmem>>, vector<1x16xf32>,
    %swap3A_111 = vector.shape_cast %swap3A_110 : vector<1x16xf32> to vector<16xf32>
    %swap3A_112 = vector.shape_cast %broadcast_in_dim3A_83 : vector<16xf32> to vector<1x16xf32>
    tpu.vector_store %arg7[%swap3A_108, %swap3A_109], %swap3A_112 {strides = array<i32>} : memref<16x64xf32, #tpu.memory_space<vmem>>, vector<1x16xf32>,
    %swap3A_113 = arith.constant 1 : i32
    %swap3A_114 = arith.index_cast %swap3A_113 : i32 to index
    %swap3A_115 = arith.constant 16 : index
    %swap3A_116 = tpu.vector_load %arg7[%swap3A_114, %swap3A_115] {strides = array<i32>} : memref<16x64xf32, #tpu.memory_space<vmem>>, vector<1x16xf32>,
    %swap3A_117 = vector.shape_cast %swap3A_116 : vector<1x16xf32> to vector<16xf32>
    %swap3A_118 = vector.shape_cast %broadcast_in_dim3A_83 : vector<16xf32> to vector<1x16xf32>
    tpu.vector_store %arg7[%swap3A_114, %swap3A_115], %swap3A_118 {strides = array<i32>} : memref<16x64xf32, #tpu.memory_space<vmem>>, vector<1x16xf32>,
    %swap3A_119 = arith.constant 1 : i32
    %swap3A_120 = arith.index_cast %swap3A_119 : i32 to index
    %swap3A_121 = arith.constant 32 : index
    %swap3A_122 = tpu.vector_load %arg7[%swap3A_120, %swap3A_121] {strides = array<i32>} : memref<16x64xf32, #tpu.memory_space<vmem>>, vector<1x16xf32>,
    %swap3A_123 = vector.shape_cast %swap3A_122 : vector<1x16xf32> to vector<16xf32>
    %swap3A_124 = vector.shape_cast %broadcast_in_dim3A_83 : vector<16xf32> to vector<1x16xf32>
    tpu.vector_store %arg7[%swap3A_120, %swap3A_121], %swap3A_124 {strides = array<i32>} : memref<16x64xf32, #tpu.memory_space<vmem>>, vector<1x16xf32>,
    %swap3A_125 = arith.constant 1 : i32
    %swap3A_126 = arith.index_cast %swap3A_125 : i32 to index
    %swap3A_127 = arith.constant 48 : index
    %swap3A_128 = tpu.vector_load %arg7[%swap3A_126, %swap3A_127] {strides = array<i32>} : memref<16x64xf32, #tpu.memory_space<vmem>>, vector<1x16xf32>,
    %swap3A_129 = vector.shape_cast %swap3A_128 : vector<1x16xf32> to vector<16xf32>
    %swap3A_130 = vector.shape_cast %broadcast_in_dim3A_83 : vector<16xf32> to vector<1x16xf32>
    tpu.vector_store %arg7[%swap3A_126, %swap3A_127], %swap3A_130 {strides = array<i32>} : memref<16x64xf32, #tpu.memory_space<vmem>>, vector<1x16xf32>,
    %swap3A_131 = arith.constant 2 : i32
    %swap3A_132 = arith.index_cast %swap3A_131 : i32 to index
    %swap3A_133 = arith.constant 0 : index
    %swap3A_134 = tpu.vector_load %arg7[%swap3A_132, %swap3A_133] {strides = array<i32>} : memref<16x64xf32, #tpu.memory_space<vmem>>, vector<1x16xf32>,
    %swap3A_135 = vector.shape_cast %swap3A_134 : vector<1x16xf32> to vector<16xf32>
    %swap3A_136 = vector.shape_cast %broadcast_in_dim3A_83 : vector<16xf32> to vector<1x16xf32>
    tpu.vector_store %arg7[%swap3A_132, %swap3A_133], %swap3A_136 {strides = array<i32>} : memref<16x64xf32, #tpu.memory_space<vmem>>, vector<1x16xf32>,
    %swap3A_137 = arith.constant 2 : i32
    %swap3A_138 = arith.index_cast %swap3A_137 : i32 to index
    %swap3A_139 = arith.constant 16 : index
    %swap3A_140 = tpu.vector_load %arg7[%swap3A_138, %swap3A_139] {strides = array<i32>} : memref<16x64xf32, #tpu.memory_space<vmem>>, vector<1x16xf32>,
    %swap3A_141 = vector.shape_cast %swap3A_140 : vector<1x16xf32> to vector<16xf32>
    %swap3A_142 = vector.shape_cast %broadcast_in_dim3A_83 : vector<16xf32> to vector<1x16xf32>
    tpu.vector_store %arg7[%swap3A_138, %swap3A_139], %swap3A_142 {strides = array<i32>} : memref<16x64xf32, #tpu.memory_space<vmem>>, vector<1x16xf32>,
    %swap3A_143 = arith.constant 2 : i32
    %swap3A_144 = arith.index_cast %swap3A_143 : i32 to index
    %swap3A_145 = arith.constant 32 : index
    %swap3A_146 = tpu.vector_load %arg7[%swap3A_144, %swap3A_145] {strides = array<i32>} : memref<16x64xf32, #tpu.memory_space<vmem>>, vector<1x16xf32>,
    %swap3A_147 = vector.shape_cast %swap3A_146 : vector<1x16xf32> to vector<16xf32>
    %swap3A_148 = vector.shape_cast %broadcast_in_dim3A_83 : vector<16xf32> to vector<1x16xf32>
    tpu.vector_store %arg7[%swap3A_144, %swap3A_145], %swap3A_148 {strides = array<i32>} : memref<16x64xf32, #tpu.memory_space<vmem>>, vector<1x16xf32>,
    %swap3A_149 = arith.constant 2 : i32
    %swap3A_150 = arith.index_cast %swap3A_149 : i32 to index
    %swap3A_151 = arith.constant 48 : index
    %swap3A_152 = tpu.vector_load %arg7[%swap3A_150, %swap3A_151] {strides = array<i32>} : memref<16x64xf32, #tpu.memory_space<vmem>>, vector<1x16xf32>,
    %swap3A_153 = vector.shape_cast %swap3A_152 : vector<1x16xf32> to vector<16xf32>
    %swap3A_154 = vector.shape_cast %broadcast_in_dim3A_83 : vector<16xf32> to vector<1x16xf32>
    tpu.vector_store %arg7[%swap3A_150, %swap3A_151], %swap3A_154 {strides = array<i32>} : memref<16x64xf32, #tpu.memory_space<vmem>>, vector<1x16xf32>,
    %swap3A_155 = arith.constant 3 : i32
    %swap3A_156 = arith.index_cast %swap3A_155 : i32 to index
    %swap3A_157 = arith.constant 0 : index
    %swap3A_158 = tpu.vector_load %arg7[%swap3A_156, %swap3A_157] {strides = array<i32>} : memref<16x64xf32, #tpu.memory_space<vmem>>, vector<1x16xf32>,
    %swap3A_159 = vector.shape_cast %swap3A_158 : vector<1x16xf32> to vector<16xf32>
    %swap3A_160 = vector.shape_cast %broadcast_in_dim3A_83 : vector<16xf32> to vector<1x16xf32>
    tpu.vector_store %arg7[%swap3A_156, %swap3A_157], %swap3A_160 {strides = array<i32>} : memref<16x64xf32, #tpu.memory_space<vmem>>, vector<1x16xf32>,
    %swap3A_161 = arith.constant 3 : i32
    %swap3A_162 = arith.index_cast %swap3A_161 : i32 to index
    %swap3A_163 = arith.constant 16 : index
    %swap3A_164 = tpu.vector_load %arg7[%swap3A_162, %swap3A_163] {strides = array<i32>} : memref<16x64xf32, #tpu.memory_space<vmem>>, vector<1x16xf32>,
    %swap3A_165 = vector.shape_cast %swap3A_164 : vector<1x16xf32> to vector<16xf32>
    %swap3A_166 = vector.shape_cast %broadcast_in_dim3A_83 : vector<16xf32> to vector<1x16xf32>
    tpu.vector_store %arg7[%swap3A_162, %swap3A_163], %swap3A_166 {strides = array<i32>} : memref<16x64xf32, #tpu.memory_space<vmem>>, vector<1x16xf32>,
    %swap3A_167 = arith.constant 3 : i32
    %swap3A_168 = arith.index_cast %swap3A_167 : i32 to index
    %swap3A_169 = arith.constant 32 : index
    %swap3A_170 = tpu.vector_load %arg7[%swap3A_168, %swap3A_169] {strides = array<i32>} : memref<16x64xf32, #tpu.memory_space<vmem>>, vector<1x16xf32>,
    %swap3A_171 = vector.shape_cast %swap3A_170 : vector<1x16xf32> to vector<16xf32>
    %swap3A_172 = vector.shape_cast %broadcast_in_dim3A_83 : vector<16xf32> to vector<1x16xf32>
    tpu.vector_store %arg7[%swap3A_168, %swap3A_169], %swap3A_172 {strides = array<i32>} : memref<16x64xf32, #tpu.memory_space<vmem>>, vector<1x16xf32>,
    %swap3A_173 = arith.constant 3 : i32
    %swap3A_174 = arith.index_cast %swap3A_173 : i32 to index
    %swap3A_175 = arith.constant 48 : index
    %swap3A_176 = tpu.vector_load %arg7[%swap3A_174, %swap3A_175] {strides = array<i32>} : memref<16x64xf32, #tpu.memory_space<vmem>>, vector<1x16xf32>,
    %swap3A_177 = vector.shape_cast %swap3A_176 : vector<1x16xf32> to vector<16xf32>
    %swap3A_178 = vector.shape_cast %broadcast_in_dim3A_83 : vector<16xf32> to vector<1x16xf32>
    tpu.vector_store %arg7[%swap3A_174, %swap3A_175], %swap3A_178 {strides = array<i32>} : memref<16x64xf32, #tpu.memory_space<vmem>>, vector<1x16xf32>,
    %swap3A_179 = arith.constant 4 : i32
    %swap3A_180 = arith.index_cast %swap3A_179 : i32 to index
    %swap3A_181 = arith.constant 0 : index
    %swap3A_182 = tpu.vector_load %arg7[%swap3A_180, %swap3A_181] {strides = array<i32>} : memref<16x64xf32, #tpu.memory_space<vmem>>, vector<1x16xf32>,
    %swap3A_183 = vector.shape_cast %swap3A_182 : vector<1x16xf32> to vector<16xf32>
    %swap3A_184 = vector.shape_cast %broadcast_in_dim3A_83 : vector<16xf32> to vector<1x16xf32>
    tpu.vector_store %arg7[%swap3A_180, %swap3A_181], %swap3A_184 {strides = array<i32>} : memref<16x64xf32, #tpu.memory_space<vmem>>, vector<1x16xf32>,
    %swap3A_185 = arith.constant 4 : i32
    %swap3A_186 = arith.index_cast %swap3A_185 : i32 to index
    %swap3A_187 = arith.constant 16 : index
    %swap3A_188 = tpu.vector_load %arg7[%swap3A_186, %swap3A_187] {strides = array<i32>} : memref<16x64xf32, #tpu.memory_space<vmem>>, vector<1x16xf32>,
    %swap3A_189 = vector.shape_cast %swap3A_188 : vector<1x16xf32> to vector<16xf32>
    %swap3A_190 = vector.shape_cast %broadcast_in_dim3A_83 : vector<16xf32> to vector<1x16xf32>
    tpu.vector_store %arg7[%swap3A_186, %swap3A_187], %swap3A_190 {strides = array<i32>} : memref<16x64xf32, #tpu.memory_space<vmem>>, vector<1x16xf32>,
    %swap3A_191 = arith.constant 4 : i32
    %swap3A_192 = arith.index_cast %swap3A_191 : i32 to index
    %swap3A_193 = arith.constant 32 : index
    %swap3A_194 = tpu.vector_load %arg7[%swap3A_192, %swap3A_193] {strides = array<i32>} : memref<16x64xf32, #tpu.memory_space<vmem>>, vector<1x16xf32>,
    %swap3A_195 = vector.shape_cast %swap3A_194 : vector<1x16xf32> to vector<16xf32>
    %swap3A_196 = vector.shape_cast %broadcast_in_dim3A_83 : vector<16xf32> to vector<1x16xf32>
    tpu.vector_store %arg7[%swap3A_192, %swap3A_193], %swap3A_196 {strides = array<i32>} : memref<16x64xf32, #tpu.memory_space<vmem>>, vector<1x16xf32>,
    %swap3A_197 = arith.constant 4 : i32
    %swap3A_198 = arith.index_cast %swap3A_197 : i32 to index
    %swap3A_199 = arith.constant 48 : index
    %swap3A_200 = tpu.vector_load %arg7[%swap3A_198, %swap3A_199] {strides = array<i32>} : memref<16x64xf32, #tpu.memory_space<vmem>>, vector<1x16xf32>,
    %swap3A_201 = vector.shape_cast %swap3A_200 : vector<1x16xf32> to vector<16xf32>
    %swap3A_202 = vector.shape_cast %broadcast_in_dim3A_83 : vector<16xf32> to vector<1x16xf32>
    tpu.vector_store %arg7[%swap3A_198, %swap3A_199], %swap3A_202 {strides = array<i32>} : memref<16x64xf32, #tpu.memory_space<vmem>>, vector<1x16xf32>,
    %swap3A_203 = arith.constant 5 : i32
    %swap3A_204 = arith.index_cast %swap3A_203 : i32 to index
    %swap3A_205 = arith.constant 0 : index
    %swap3A_206 = tpu.vector_load %arg7[%swap3A_204, %swap3A_205] {strides = array<i32>} : memref<16x64xf32, #tpu.memory_space<vmem>>, vector<1x16xf32>,
    %swap3A_207 = vector.shape_cast %swap3A_206 : vector<1x16xf32> to vector<16xf32>
    %swap3A_208 = vector.shape_cast %broadcast_in_dim3A_83 : vector<16xf32> to vector<1x16xf32>
    tpu.vector_store %arg7[%swap3A_204, %swap3A_205], %swap3A_208 {strides = array<i32>} : memref<16x64xf32, #tpu.memory_space<vmem>>, vector<1x16xf32>,
    %swap3A_209 = arith.constant 5 : i32
    %swap3A_210 = arith.index_cast %swap3A_209 : i32 to index
    %swap3A_211 = arith.constant 16 : index
    %swap3A_212 = tpu.vector_load %arg7[%swap3A_210, %swap3A_211] {strides = array<i32>} : memref<16x64xf32, #tpu.memory_space<vmem>>, vector<1x16xf32>,
    %swap3A_213 = vector.shape_cast %swap3A_212 : vector<1x16xf32> to vector<16xf32>
    %swap3A_214 = vector.shape_cast %broadcast_in_dim3A_83 : vector<16xf32> to vector<1x16xf32>
    tpu.vector_store %arg7[%swap3A_210, %swap3A_211], %swap3A_214 {strides = array<i32>} : memref<16x64xf32, #tpu.memory_space<vmem>>, vector<1x16xf32>,
    %swap3A_215 = arith.constant 5 : i32
    %swap3A_216 = arith.index_cast %swap3A_215 : i32 to index
    %swap3A_217 = arith.constant 32 : index
    %swap3A_218 = tpu.vector_load %arg7[%swap3A_216, %swap3A_217] {strides = array<i32>} : memref<16x64xf32, #tpu.memory_space<vmem>>, vector<1x16xf32>,
    %swap3A_219 = vector.shape_cast %swap3A_218 : vector<1x16xf32> to vector<16xf32>
    %swap3A_220 = vector.shape_cast %broadcast_in_dim3A_83 : vector<16xf32> to vector<1x16xf32>
    tpu.vector_store %arg7[%swap3A_216, %swap3A_217], %swap3A_220 {strides = array<i32>} : memref<16x64xf32, #tpu.memory_space<vmem>>, vector<1x16xf32>,
    %swap3A_221 = arith.constant 5 : i32
    %swap3A_222 = arith.index_cast %swap3A_221 : i32 to index
    %swap3A_223 = arith.constant 48 : index
    %swap3A_224 = tpu.vector_load %arg7[%swap3A_222, %swap3A_223] {strides = array<i32>} : memref<16x64xf32, #tpu.memory_space<vmem>>, vector<1x16xf32>,
    %swap3A_225 = vector.shape_cast %swap3A_224 : vector<1x16xf32> to vector<16xf32>
    %swap3A_226 = vector.shape_cast %broadcast_in_dim3A_83 : vector<16xf32> to vector<1x16xf32>
    tpu.vector_store %arg7[%swap3A_222, %swap3A_223], %swap3A_226 {strides = array<i32>} : memref<16x64xf32, #tpu.memory_space<vmem>>, vector<1x16xf32>,
    %swap3A_227 = arith.constant 6 : i32
    %swap3A_228 = arith.index_cast %swap3A_227 : i32 to index
    %swap3A_229 = arith.constant 0 : index
    %swap3A_230 = tpu.vector_load %arg7[%swap3A_228, %swap3A_229] {strides = array<i32>} : memref<16x64xf32, #tpu.memory_space<vmem>>, vector<1x16xf32>,
    %swap3A_231 = vector.shape_cast %swap3A_230 : vector<1x16xf32> to vector<16xf32>
    %swap3A_232 = vector.shape_cast %broadcast_in_dim3A_83 : vector<16xf32> to vector<1x16xf32>
    tpu.vector_store %arg7[%swap3A_228, %swap3A_229], %swap3A_232 {strides = array<i32>} : memref<16x64xf32, #tpu.memory_space<vmem>>, vector<1x16xf32>,
    %swap3A_233 = arith.constant 6 : i32
    %swap3A_234 = arith.index_cast %swap3A_233 : i32 to index
    %swap3A_235 = arith.constant 16 : index
    %swap3A_236 = tpu.vector_load %arg7[%swap3A_234, %swap3A_235] {strides = array<i32>} : memref<16x64xf32, #tpu.memory_space<vmem>>, vector<1x16xf32>,
    %swap3A_237 = vector.shape_cast %swap3A_236 : vector<1x16xf32> to vector<16xf32>
    %swap3A_238 = vector.shape_cast %broadcast_in_dim3A_83 : vector<16xf32> to vector<1x16xf32>
    tpu.vector_store %arg7[%swap3A_234, %swap3A_235], %swap3A_238 {strides = array<i32>} : memref<16x64xf32, #tpu.memory_space<vmem>>, vector<1x16xf32>,
    %swap3A_239 = arith.constant 6 : i32
    %swap3A_240 = arith.index_cast %swap3A_239 : i32 to index
    %swap3A_241 = arith.constant 32 : index
    %swap3A_242 = tpu.vector_load %arg7[%swap3A_240, %swap3A_241] {strides = array<i32>} : memref<16x64xf32, #tpu.memory_space<vmem>>, vector<1x16xf32>,
    %swap3A_243 = vector.shape_cast %swap3A_242 : vector<1x16xf32> to vector<16xf32>
    %swap3A_244 = vector.shape_cast %broadcast_in_dim3A_83 : vector<16xf32> to vector<1x16xf32>
    tpu.vector_store %arg7[%swap3A_240, %swap3A_241], %swap3A_244 {strides = array<i32>} : memref<16x64xf32, #tpu.memory_space<vmem>>, vector<1x16xf32>,
    %swap3A_245 = arith.constant 6 : i32
    %swap3A_246 = arith.index_cast %swap3A_245 : i32 to index
    %swap3A_247 = arith.constant 48 : index
    %swap3A_248 = tpu.vector_load %arg7[%swap3A_246, %swap3A_247] {strides = array<i32>} : memref<16x64xf32, #tpu.memory_space<vmem>>, vector<1x16xf32>,
    %swap3A_249 = vector.shape_cast %swap3A_248 : vector<1x16xf32> to vector<16xf32>
    %swap3A_250 = vector.shape_cast %broadcast_in_dim3A_83 : vector<16xf32> to vector<1x16xf32>
    tpu.vector_store %arg7[%swap3A_246, %swap3A_247], %swap3A_250 {strides = array<i32>} : memref<16x64xf32, #tpu.memory_space<vmem>>, vector<1x16xf32>,
    %swap3A_251 = arith.constant 7 : i32
    %swap3A_252 = arith.index_cast %swap3A_251 : i32 to index
    %swap3A_253 = arith.constant 0 : index
    %swap3A_254 = tpu.vector_load %arg7[%swap3A_252, %swap3A_253] {strides = array<i32>} : memref<16x64xf32, #tpu.memory_space<vmem>>, vector<1x16xf32>,
    %swap3A_255 = vector.shape_cast %swap3A_254 : vector<1x16xf32> to vector<16xf32>
    %swap3A_256 = vector.shape_cast %broadcast_in_dim3A_83 : vector<16xf32> to vector<1x16xf32>
    tpu.vector_store %arg7[%swap3A_252, %swap3A_253], %swap3A_256 {strides = array<i32>} : memref<16x64xf32, #tpu.memory_space<vmem>>, vector<1x16xf32>,
    %swap3A_257 = arith.constant 7 : i32
    %swap3A_258 = arith.index_cast %swap3A_257 : i32 to index
    %swap3A_259 = arith.constant 16 : index
    %swap3A_260 = tpu.vector_load %arg7[%swap3A_258, %swap3A_259] {strides = array<i32>} : memref<16x64xf32, #tpu.memory_space<vmem>>, vector<1x16xf32>,
    %swap3A_261 = vector.shape_cast %swap3A_260 : vector<1x16xf32> to vector<16xf32>
    %swap3A_262 = vector.shape_cast %broadcast_in_dim3A_83 : vector<16xf32> to vector<1x16xf32>
    tpu.vector_store %arg7[%swap3A_258, %swap3A_259], %swap3A_262 {strides = array<i32>} : memref<16x64xf32, #tpu.memory_space<vmem>>, vector<1x16xf32>,
    %swap3A_263 = arith.constant 7 : i32
    %swap3A_264 = arith.index_cast %swap3A_263 : i32 to index
    %swap3A_265 = arith.constant 32 : index
    %swap3A_266 = tpu.vector_load %arg7[%swap3A_264, %swap3A_265] {strides = array<i32>} : memref<16x64xf32, #tpu.memory_space<vmem>>, vector<1x16xf32>,
    %swap3A_267 = vector.shape_cast %swap3A_266 : vector<1x16xf32> to vector<16xf32>
    %swap3A_268 = vector.shape_cast %broadcast_in_dim3A_83 : vector<16xf32> to vector<1x16xf32>
    tpu.vector_store %arg7[%swap3A_264, %swap3A_265], %swap3A_268 {strides = array<i32>} : memref<16x64xf32, #tpu.memory_space<vmem>>, vector<1x16xf32>,
    %swap3A_269 = arith.constant 7 : i32
    %swap3A_270 = arith.index_cast %swap3A_269 : i32 to index
    %swap3A_271 = arith.constant 48 : index
    %swap3A_272 = tpu.vector_load %arg7[%swap3A_270, %swap3A_271] {strides = array<i32>} : memref<16x64xf32, #tpu.memory_space<vmem>>, vector<1x16xf32>,
    %swap3A_273 = vector.shape_cast %swap3A_272 : vector<1x16xf32> to vector<16xf32>
    %swap3A_274 = vector.shape_cast %broadcast_in_dim3A_83 : vector<16xf32> to vector<1x16xf32>
    tpu.vector_store %arg7[%swap3A_270, %swap3A_271], %swap3A_274 {strides = array<i32>} : memref<16x64xf32, #tpu.memory_space<vmem>>, vector<1x16xf32>,
    %swap3A_275 = arith.constant 8 : i32
    %swap3A_276 = arith.index_cast %swap3A_275 : i32 to index
    %swap3A_277 = arith.constant 0 : index
    %swap3A_278 = tpu.vector_load %arg7[%swap3A_276, %swap3A_277] {strides = array<i32>} : memref<16x64xf32, #tpu.memory_space<vmem>>, vector<1x16xf32>,
    %swap3A_279 = vector.shape_cast %swap3A_278 : vector<1x16xf32> to vector<16xf32>
    %swap3A_280 = vector.shape_cast %broadcast_in_dim3A_83 : vector<16xf32> to vector<1x16xf32>
    tpu.vector_store %arg7[%swap3A_276, %swap3A_277], %swap3A_280 {strides = array<i32>} : memref<16x64xf32, #tpu.memory_space<vmem>>, vector<1x16xf32>,
    %swap3A_281 = arith.constant 8 : i32
    %swap3A_282 = arith.index_cast %swap3A_281 : i32 to index
    %swap3A_283 = arith.constant 16 : index
    %swap3A_284 = tpu.vector_load %arg7[%swap3A_282, %swap3A_283] {strides = array<i32>} : memref<16x64xf32, #tpu.memory_space<vmem>>, vector<1x16xf32>,
    %swap3A_285 = vector.shape_cast %swap3A_284 : vector<1x16xf32> to vector<16xf32>
    %swap3A_286 = vector.shape_cast %broadcast_in_dim3A_83 : vector<16xf32> to vector<1x16xf32>
    tpu.vector_store %arg7[%swap3A_282, %swap3A_283], %swap3A_286 {strides = array<i32>} : memref<16x64xf32, #tpu.memory_space<vmem>>, vector<1x16xf32>,
    %swap3A_287 = arith.constant 8 : i32
    %swap3A_288 = arith.index_cast %swap3A_287 : i32 to index
    %swap3A_289 = arith.constant 32 : index
    %swap3A_290 = tpu.vector_load %arg7[%swap3A_288, %swap3A_289] {strides = array<i32>} : memref<16x64xf32, #tpu.memory_space<vmem>>, vector<1x16xf32>,
    %swap3A_291 = vector.shape_cast %swap3A_290 : vector<1x16xf32> to vector<16xf32>
    %swap3A_292 = vector.shape_cast %broadcast_in_dim3A_83 : vector<16xf32> to vector<1x16xf32>
    tpu.vector_store %arg7[%swap3A_288, %swap3A_289], %swap3A_292 {strides = array<i32>} : memref<16x64xf32, #tpu.memory_space<vmem>>, vector<1x16xf32>,
    %swap3A_293 = arith.constant 8 : i32
    %swap3A_294 = arith.index_cast %swap3A_293 : i32 to index
    %swap3A_295 = arith.constant 48 : index
    %swap3A_296 = tpu.vector_load %arg7[%swap3A_294, %swap3A_295] {strides = array<i32>} : memref<16x64xf32, #tpu.memory_space<vmem>>, vector<1x16xf32>,
    %swap3A_297 = vector.shape_cast %swap3A_296 : vector<1x16xf32> to vector<16xf32>
    %swap3A_298 = vector.shape_cast %broadcast_in_dim3A_83 : vector<16xf32> to vector<1x16xf32>
    tpu.vector_store %arg7[%swap3A_294, %swap3A_295], %swap3A_298 {strides = array<i32>} : memref<16x64xf32, #tpu.memory_space<vmem>>, vector<1x16xf32>,
    %swap3A_299 = arith.constant 9 : i32
    %swap3A_300 = arith.index_cast %swap3A_299 : i32 to index
    %swap3A_301 = arith.constant 0 : index
    %swap3A_302 = tpu.vector_load %arg7[%swap3A_300, %swap3A_301] {strides = array<i32>} : memref<16x64xf32, #tpu.memory_space<vmem>>, vector<1x16xf32>,
    %swap3A_303 = vector.shape_cast %swap3A_302 : vector<1x16xf32> to vector<16xf32>
    %swap3A_304 = vector.shape_cast %broadcast_in_dim3A_83 : vector<16xf32> to vector<1x16xf32>
    tpu.vector_store %arg7[%swap3A_300, %swap3A_301], %swap3A_304 {strides = array<i32>} : memref<16x64xf32, #tpu.memory_space<vmem>>, vector<1x16xf32>,
    %swap3A_305 = arith.constant 9 : i32
    %swap3A_306 = arith.index_cast %swap3A_305 : i32 to index
    %swap3A_307 = arith.constant 16 : index
    %swap3A_308 = tpu.vector_load %arg7[%swap3A_306, %swap3A_307] {strides = array<i32>} : memref<16x64xf32, #tpu.memory_space<vmem>>, vector<1x16xf32>,
    %swap3A_309 = vector.shape_cast %swap3A_308 : vector<1x16xf32> to vector<16xf32>
    %swap3A_310 = vector.shape_cast %broadcast_in_dim3A_83 : vector<16xf32> to vector<1x16xf32>
    tpu.vector_store %arg7[%swap3A_306, %swap3A_307], %swap3A_310 {strides = array<i32>} : memref<16x64xf32, #tpu.memory_space<vmem>>, vector<1x16xf32>,
    %swap3A_311 = arith.constant 9 : i32
    %swap3A_312 = arith.index_cast %swap3A_311 : i32 to index
    %swap3A_313 = arith.constant 32 : index
    %swap3A_314 = tpu.vector_load %arg7[%swap3A_312, %swap3A_313] {strides = array<i32>} : memref<16x64xf32, #tpu.memory_space<vmem>>, vector<1x16xf32>,
    %swap3A_315 = vector.shape_cast %swap3A_314 : vector<1x16xf32> to vector<16xf32>
    %swap3A_316 = vector.shape_cast %broadcast_in_dim3A_83 : vector<16xf32> to vector<1x16xf32>
    tpu.vector_store %arg7[%swap3A_312, %swap3A_313], %swap3A_316 {strides = array<i32>} : memref<16x64xf32, #tpu.memory_space<vmem>>, vector<1x16xf32>,
    %swap3A_317 = arith.constant 9 : i32
    %swap3A_318 = arith.index_cast %swap3A_317 : i32 to index
    %swap3A_319 = arith.constant 48 : index
    %swap3A_320 = tpu.vector_load %arg7[%swap3A_318, %swap3A_319] {strides = array<i32>} : memref<16x64xf32, #tpu.memory_space<vmem>>, vector<1x16xf32>,
    %swap3A_321 = vector.shape_cast %swap3A_320 : vector<1x16xf32> to vector<16xf32>
    %swap3A_322 = vector.shape_cast %broadcast_in_dim3A_83 : vector<16xf32> to vector<1x16xf32>
    tpu.vector_store %arg7[%swap3A_318, %swap3A_319], %swap3A_322 {strides = array<i32>} : memref<16x64xf32, #tpu.memory_space<vmem>>, vector<1x16xf32>,
    %swap3A_323 = arith.constant 10 : i32
    %swap3A_324 = arith.index_cast %swap3A_323 : i32 to index
    %swap3A_325 = arith.constant 0 : index
    %swap3A_326 = tpu.vector_load %arg7[%swap3A_324, %swap3A_325] {strides = array<i32>} : memref<16x64xf32, #tpu.memory_space<vmem>>, vector<1x16xf32>,
    %swap3A_327 = vector.shape_cast %swap3A_326 : vector<1x16xf32> to vector<16xf32>
    %swap3A_328 = vector.shape_cast %broadcast_in_dim3A_83 : vector<16xf32> to vector<1x16xf32>
    tpu.vector_store %arg7[%swap3A_324, %swap3A_325], %swap3A_328 {strides = array<i32>} : memref<16x64xf32, #tpu.memory_space<vmem>>, vector<1x16xf32>,
    %swap3A_329 = arith.constant 10 : i32
    %swap3A_330 = arith.index_cast %swap3A_329 : i32 to index
    %swap3A_331 = arith.constant 16 : index
    %swap3A_332 = tpu.vector_load %arg7[%swap3A_330, %swap3A_331] {strides = array<i32>} : memref<16x64xf32, #tpu.memory_space<vmem>>, vector<1x16xf32>,
    %swap3A_333 = vector.shape_cast %swap3A_332 : vector<1x16xf32> to vector<16xf32>
    %swap3A_334 = vector.shape_cast %broadcast_in_dim3A_83 : vector<16xf32> to vector<1x16xf32>
    tpu.vector_store %arg7[%swap3A_330, %swap3A_331], %swap3A_334 {strides = array<i32>} : memref<16x64xf32, #tpu.memory_space<vmem>>, vector<1x16xf32>,
    %swap3A_335 = arith.constant 10 : i32
    %swap3A_336 = arith.index_cast %swap3A_335 : i32 to index
    %swap3A_337 = arith.constant 32 : index
    %swap3A_338 = tpu.vector_load %arg7[%swap3A_336, %swap3A_337] {strides = array<i32>} : memref<16x64xf32, #tpu.memory_space<vmem>>, vector<1x16xf32>,
    %swap3A_339 = vector.shape_cast %swap3A_338 : vector<1x16xf32> to vector<16xf32>
    %swap3A_340 = vector.shape_cast %broadcast_in_dim3A_83 : vector<16xf32> to vector<1x16xf32>
    tpu.vector_store %arg7[%swap3A_336, %swap3A_337], %swap3A_340 {strides = array<i32>} : memref<16x64xf32, #tpu.memory_space<vmem>>, vector<1x16xf32>,
    %swap3A_341 = arith.constant 10 : i32
    %swap3A_342 = arith.index_cast %swap3A_341 : i32 to index
    %swap3A_343 = arith.constant 48 : index
    %swap3A_344 = tpu.vector_load %arg7[%swap3A_342, %swap3A_343] {strides = array<i32>} : memref<16x64xf32, #tpu.memory_space<vmem>>, vector<1x16xf32>,
    %swap3A_345 = vector.shape_cast %swap3A_344 : vector<1x16xf32> to vector<16xf32>
    %swap3A_346 = vector.shape_cast %broadcast_in_dim3A_83 : vector<16xf32> to vector<1x16xf32>
    tpu.vector_store %arg7[%swap3A_342, %swap3A_343], %swap3A_346 {strides = array<i32>} : memref<16x64xf32, #tpu.memory_space<vmem>>, vector<1x16xf32>,
    %swap3A_347 = arith.constant 11 : i32
    %swap3A_348 = arith.index_cast %swap3A_347 : i32 to index
    %swap3A_349 = arith.constant 0 : index
    %swap3A_350 = tpu.vector_load %arg7[%swap3A_348, %swap3A_349] {strides = array<i32>} : memref<16x64xf32, #tpu.memory_space<vmem>>, vector<1x16xf32>,
    %swap3A_351 = vector.shape_cast %swap3A_350 : vector<1x16xf32> to vector<16xf32>
    %swap3A_352 = vector.shape_cast %broadcast_in_dim3A_83 : vector<16xf32> to vector<1x16xf32>
    tpu.vector_store %arg7[%swap3A_348, %swap3A_349], %swap3A_352 {strides = array<i32>} : memref<16x64xf32, #tpu.memory_space<vmem>>, vector<1x16xf32>,
    %swap3A_353 = arith.constant 11 : i32
    %swap3A_354 = arith.index_cast %swap3A_353 : i32 to index
    %swap3A_355 = arith.constant 16 : index
    %swap3A_356 = tpu.vector_load %arg7[%swap3A_354, %swap3A_355] {strides = array<i32>} : memref<16x64xf32, #tpu.memory_space<vmem>>, vector<1x16xf32>,
    %swap3A_357 = vector.shape_cast %swap3A_356 : vector<1x16xf32> to vector<16xf32>
    %swap3A_358 = vector.shape_cast %broadcast_in_dim3A_83 : vector<16xf32> to vector<1x16xf32>
    tpu.vector_store %arg7[%swap3A_354, %swap3A_355], %swap3A_358 {strides = array<i32>} : memref<16x64xf32, #tpu.memory_space<vmem>>, vector<1x16xf32>,
    %swap3A_359 = arith.constant 11 : i32
    %swap3A_360 = arith.index_cast %swap3A_359 : i32 to index
    %swap3A_361 = arith.constant 32 : index
    %swap3A_362 = tpu.vector_load %arg7[%swap3A_360, %swap3A_361] {strides = array<i32>} : memref<16x64xf32, #tpu.memory_space<vmem>>, vector<1x16xf32>,
    %swap3A_363 = vector.shape_cast %swap3A_362 : vector<1x16xf32> to vector<16xf32>
    %swap3A_364 = vector.shape_cast %broadcast_in_dim3A_83 : vector<16xf32> to vector<1x16xf32>
    tpu.vector_store %arg7[%swap3A_360, %swap3A_361], %swap3A_364 {strides = array<i32>} : memref<16x64xf32, #tpu.memory_space<vmem>>, vector<1x16xf32>,
    %swap3A_365 = arith.constant 11 : i32
    %swap3A_366 = arith.index_cast %swap3A_365 : i32 to index
    %swap3A_367 = arith.constant 48 : index
    %swap3A_368 = tpu.vector_load %arg7[%swap3A_366, %swap3A_367] {strides = array<i32>} : memref<16x64xf32, #tpu.memory_space<vmem>>, vector<1x16xf32>,
    %swap3A_369 = vector.shape_cast %swap3A_368 : vector<1x16xf32> to vector<16xf32>
    %swap3A_370 = vector.shape_cast %broadcast_in_dim3A_83 : vector<16xf32> to vector<1x16xf32>
    tpu.vector_store %arg7[%swap3A_366, %swap3A_367], %swap3A_370 {strides = array<i32>} : memref<16x64xf32, #tpu.memory_space<vmem>>, vector<1x16xf32>,
    %swap3A_371 = arith.constant 12 : i32
    %swap3A_372 = arith.index_cast %swap3A_371 : i32 to index
    %swap3A_373 = arith.constant 0 : index
    %swap3A_374 = tpu.vector_load %arg7[%swap3A_372, %swap3A_373] {strides = array<i32>} : memref<16x64xf32, #tpu.memory_space<vmem>>, vector<1x16xf32>,
    %swap3A_375 = vector.shape_cast %swap3A_374 : vector<1x16xf32> to vector<16xf32>
    %swap3A_376 = vector.shape_cast %broadcast_in_dim3A_83 : vector<16xf32> to vector<1x16xf32>
    tpu.vector_store %arg7[%swap3A_372, %swap3A_373], %swap3A_376 {strides = array<i32>} : memref<16x64xf32, #tpu.memory_space<vmem>>, vector<1x16xf32>,
    %swap3A_377 = arith.constant 12 : i32
    %swap3A_378 = arith.index_cast %swap3A_377 : i32 to index
    %swap3A_379 = arith.constant 16 : index
    %swap3A_380 = tpu.vector_load %arg7[%swap3A_378, %swap3A_379] {strides = array<i32>} : memref<16x64xf32, #tpu.memory_space<vmem>>, vector<1x16xf32>,
    %swap3A_381 = vector.shape_cast %swap3A_380 : vector<1x16xf32> to vector<16xf32>
    %swap3A_382 = vector.shape_cast %broadcast_in_dim3A_83 : vector<16xf32> to vector<1x16xf32>
    tpu.vector_store %arg7[%swap3A_378, %swap3A_379], %swap3A_382 {strides = array<i32>} : memref<16x64xf32, #tpu.memory_space<vmem>>, vector<1x16xf32>,
    %swap3A_383 = arith.constant 12 : i32
    %swap3A_384 = arith.index_cast %swap3A_383 : i32 to index
    %swap3A_385 = arith.constant 32 : index
    %swap3A_386 = tpu.vector_load %arg7[%swap3A_384, %swap3A_385] {strides = array<i32>} : memref<16x64xf32, #tpu.memory_space<vmem>>, vector<1x16xf32>,
    %swap3A_387 = vector.shape_cast %swap3A_386 : vector<1x16xf32> to vector<16xf32>
    %swap3A_388 = vector.shape_cast %broadcast_in_dim3A_83 : vector<16xf32> to vector<1x16xf32>
    tpu.vector_store %arg7[%swap3A_384, %swap3A_385], %swap3A_388 {strides = array<i32>} : memref<16x64xf32, #tpu.memory_space<vmem>>, vector<1x16xf32>,
    %swap3A_389 = arith.constant 12 : i32
    %swap3A_390 = arith.index_cast %swap3A_389 : i32 to index
    %swap3A_391 = arith.constant 48 : index
    %swap3A_392 = tpu.vector_load %arg7[%swap3A_390, %swap3A_391] {strides = array<i32>} : memref<16x64xf32, #tpu.memory_space<vmem>>, vector<1x16xf32>,
    %swap3A_393 = vector.shape_cast %swap3A_392 : vector<1x16xf32> to vector<16xf32>
    %swap3A_394 = vector.shape_cast %broadcast_in_dim3A_83 : vector<16xf32> to vector<1x16xf32>
    tpu.vector_store %arg7[%swap3A_390, %swap3A_391], %swap3A_394 {strides = array<i32>} : memref<16x64xf32, #tpu.memory_space<vmem>>, vector<1x16xf32>,
    %swap3A_395 = arith.constant 13 : i32
    %swap3A_396 = arith.index_cast %swap3A_395 : i32 to index
    %swap3A_397 = arith.constant 0 : index
    %swap3A_398 = tpu.vector_load %arg7[%swap3A_396, %swap3A_397] {strides = array<i32>} : memref<16x64xf32, #tpu.memory_space<vmem>>, vector<1x16xf32>,
    %swap3A_399 = vector.shape_cast %swap3A_398 : vector<1x16xf32> to vector<16xf32>
    %swap3A_400 = vector.shape_cast %broadcast_in_dim3A_83 : vector<16xf32> to vector<1x16xf32>
    tpu.vector_store %arg7[%swap3A_396, %swap3A_397], %swap3A_400 {strides = array<i32>} : memref<16x64xf32, #tpu.memory_space<vmem>>, vector<1x16xf32>,
    %swap3A_401 = arith.constant 13 : i32
    %swap3A_402 = arith.index_cast %swap3A_401 : i32 to index
    %swap3A_403 = arith.constant 16 : index
    %swap3A_404 = tpu.vector_load %arg7[%swap3A_402, %swap3A_403] {strides = array<i32>} : memref<16x64xf32, #tpu.memory_space<vmem>>, vector<1x16xf32>,
    %swap3A_405 = vector.shape_cast %swap3A_404 : vector<1x16xf32> to vector<16xf32>
    %swap3A_406 = vector.shape_cast %broadcast_in_dim3A_83 : vector<16xf32> to vector<1x16xf32>
    tpu.vector_store %arg7[%swap3A_402, %swap3A_403], %swap3A_406 {strides = array<i32>} : memref<16x64xf32, #tpu.memory_space<vmem>>, vector<1x16xf32>,
    %swap3A_407 = arith.constant 13 : i32
    %swap3A_408 = arith.index_cast %swap3A_407 : i32 to index
    %swap3A_409 = arith.constant 32 : index
    %swap3A_410 = tpu.vector_load %arg7[%swap3A_408, %swap3A_409] {strides = array<i32>} : memref<16x64xf32, #tpu.memory_space<vmem>>, vector<1x16xf32>,
    %swap3A_411 = vector.shape_cast %swap3A_410 : vector<1x16xf32> to vector<16xf32>
    %swap3A_412 = vector.shape_cast %broadcast_in_dim3A_83 : vector<16xf32> to vector<1x16xf32>
    tpu.vector_store %arg7[%swap3A_408, %swap3A_409], %swap3A_412 {strides = array<i32>} : memref<16x64xf32, #tpu.memory_space<vmem>>, vector<1x16xf32>,
    %swap3A_413 = arith.constant 13 : i32
    %swap3A_414 = arith.index_cast %swap3A_413 : i32 to index
    %swap3A_415 = arith.constant 48 : index
    %swap3A_416 = tpu.vector_load %arg7[%swap3A_414, %swap3A_415] {strides = array<i32>} : memref<16x64xf32, #tpu.memory_space<vmem>>, vector<1x16xf32>,
    %swap3A_417 = vector.shape_cast %swap3A_416 : vector<1x16xf32> to vector<16xf32>
    %swap3A_418 = vector.shape_cast %broadcast_in_dim3A_83 : vector<16xf32> to vector<1x16xf32>
    tpu.vector_store %arg7[%swap3A_414, %swap3A_415], %swap3A_418 {strides = array<i32>} : memref<16x64xf32, #tpu.memory_space<vmem>>, vector<1x16xf32>,
    %swap3A_419 = arith.constant 14 : i32
    %swap3A_420 = arith.index_cast %swap3A_419 : i32 to index
    %swap3A_421 = arith.constant 0 : index
    %swap3A_422 = tpu.vector_load %arg7[%swap3A_420, %swap3A_421] {strides = array<i32>} : memref<16x64xf32, #tpu.memory_space<vmem>>, vector<1x16xf32>,
    %swap3A_423 = vector.shape_cast %swap3A_422 : vector<1x16xf32> to vector<16xf32>
    %swap3A_424 = vector.shape_cast %broadcast_in_dim3A_83 : vector<16xf32> to vector<1x16xf32>
    tpu.vector_store %arg7[%swap3A_420, %swap3A_421], %swap3A_424 {strides = array<i32>} : memref<16x64xf32, #tpu.memory_space<vmem>>, vector<1x16xf32>,
    %swap3A_425 = arith.constant 14 : i32
    %swap3A_426 = arith.index_cast %swap3A_425 : i32 to index
    %swap3A_427 = arith.constant 16 : index
    %swap3A_428 = tpu.vector_load %arg7[%swap3A_426, %swap3A_427] {strides = array<i32>} : memref<16x64xf32, #tpu.memory_space<vmem>>, vector<1x16xf32>,
    %swap3A_429 = vector.shape_cast %swap3A_428 : vector<1x16xf32> to vector<16xf32>
    %swap3A_430 = vector.shape_cast %broadcast_in_dim3A_83 : vector<16xf32> to vector<1x16xf32>
    tpu.vector_store %arg7[%swap3A_426, %swap3A_427], %swap3A_430 {strides = array<i32>} : memref<16x64xf32, #tpu.memory_space<vmem>>, vector<1x16xf32>,
    %swap3A_431 = arith.constant 14 : i32
    %swap3A_432 = arith.index_cast %swap3A_431 : i32 to index
    %swap3A_433 = arith.constant 32 : index
    %swap3A_434 = tpu.vector_load %arg7[%swap3A_432, %swap3A_433] {strides = array<i32>} : memref<16x64xf32, #tpu.memory_space<vmem>>, vector<1x16xf32>,
    %swap3A_435 = vector.shape_cast %swap3A_434 : vector<1x16xf32> to vector<16xf32>
    %swap3A_436 = vector.shape_cast %broadcast_in_dim3A_83 : vector<16xf32> to vector<1x16xf32>
    tpu.vector_store %arg7[%swap3A_432, %swap3A_433], %swap3A_436 {strides = array<i32>} : memref<16x64xf32, #tpu.memory_space<vmem>>, vector<1x16xf32>,
    %swap3A_437 = arith.constant 14 : i32
    %swap3A_438 = arith.index_cast %swap3A_437 : i32 to index
    %swap3A_439 = arith.constant 48 : index
    %swap3A_440 = tpu.vector_load %arg7[%swap3A_438, %swap3A_439] {strides = array<i32>} : memref<16x64xf32, #tpu.memory_space<vmem>>, vector<1x16xf32>,
    %swap3A_441 = vector.shape_cast %swap3A_440 : vector<1x16xf32> to vector<16xf32>
    %swap3A_442 = vector.shape_cast %broadcast_in_dim3A_83 : vector<16xf32> to vector<1x16xf32>
    tpu.vector_store %arg7[%swap3A_438, %swap3A_439], %swap3A_442 {strides = array<i32>} : memref<16x64xf32, #tpu.memory_space<vmem>>, vector<1x16xf32>,
    %swap3A_443 = arith.constant 15 : i32
    %swap3A_444 = arith.index_cast %swap3A_443 : i32 to index
    %swap3A_445 = arith.constant 0 : index
    %swap3A_446 = tpu.vector_load %arg7[%swap3A_444, %swap3A_445] {strides = array<i32>} : memref<16x64xf32, #tpu.memory_space<vmem>>, vector<1x16xf32>,
    %swap3A_447 = vector.shape_cast %swap3A_446 : vector<1x16xf32> to vector<16xf32>
    %swap3A_448 = vector.shape_cast %broadcast_in_dim3A_83 : vector<16xf32> to vector<1x16xf32>
    tpu.vector_store %arg7[%swap3A_444, %swap3A_445], %swap3A_448 {strides = array<i32>} : memref<16x64xf32, #tpu.memory_space<vmem>>, vector<1x16xf32>,
    %swap3A_449 = arith.constant 15 : i32
    %swap3A_450 = arith.index_cast %swap3A_449 : i32 to index
    %swap3A_451 = arith.constant 16 : index
    %swap3A_452 = tpu.vector_load %arg7[%swap3A_450, %swap3A_451] {strides = array<i32>} : memref<16x64xf32, #tpu.memory_space<vmem>>, vector<1x16xf32>,
    %swap3A_453 = vector.shape_cast %swap3A_452 : vector<1x16xf32> to vector<16xf32>
    %swap3A_454 = vector.shape_cast %broadcast_in_dim3A_83 : vector<16xf32> to vector<1x16xf32>
    tpu.vector_store %arg7[%swap3A_450, %swap3A_451], %swap3A_454 {strides = array<i32>} : memref<16x64xf32, #tpu.memory_space<vmem>>, vector<1x16xf32>,
    %swap3A_455 = arith.constant 15 : i32
    %swap3A_456 = arith.index_cast %swap3A_455 : i32 to index
    %swap3A_457 = arith.constant 32 : index
    %swap3A_458 = tpu.vector_load %arg7[%swap3A_456, %swap3A_457] {strides = array<i32>} : memref<16x64xf32, #tpu.memory_space<vmem>>, vector<1x16xf32>,
    %swap3A_459 = vector.shape_cast %swap3A_458 : vector<1x16xf32> to vector<16xf32>
    %swap3A_460 = vector.shape_cast %broadcast_in_dim3A_83 : vector<16xf32> to vector<1x16xf32>
    tpu.vector_store %arg7[%swap3A_456, %swap3A_457], %swap3A_460 {strides = array<i32>} : memref<16x64xf32, #tpu.memory_space<vmem>>, vector<1x16xf32>,
    %swap3A_461 = arith.constant 15 : i32
    %swap3A_462 = arith.index_cast %swap3A_461 : i32 to index
    %swap3A_463 = arith.constant 48 : index
    %swap3A_464 = tpu.vector_load %arg7[%swap3A_462, %swap3A_463] {strides = array<i32>} : memref<16x64xf32, #tpu.memory_space<vmem>>, vector<1x16xf32>,
    %swap3A_465 = vector.shape_cast %swap3A_464 : vector<1x16xf32> to vector<16xf32>
    %swap3A_466 = vector.shape_cast %broadcast_in_dim3A_83 : vector<16xf32> to vector<1x16xf32>
    tpu.vector_store %arg7[%swap3A_462, %swap3A_463], %swap3A_466 {strides = array<i32>} : memref<16x64xf32, #tpu.memory_space<vmem>>, vector<1x16xf32>,
    %mul3A_467 = arith.constant 16 : i32
    %mul3A_468 = arith.muli %arg1, %mul3A_467 : i32
    "tpu.region"() ({
      %run_scoped3A = tpu.sem_alloc : memref<!tpu.dma_semaphore, #tpu.memory_space<semaphore_mem>>
      %dma_start3A = arith.constant 0 : i32
      %dma_start3A_473 = tpu.memref_slice %arg8[%mul3A_468, %dma_start3A] : memref<256x64xf32, #tpu.memory_space<vmem_shared>> -> memref<16x64xf32, #tpu.memory_space<vmem_shared>>
      %dma_start3A_474 = arith.constant 0 : i32
      %dma_start3A_475 = tpu.memref_slice %arg8[%mul3A_468, %dma_start3A_474] : memref<256x64xf32, #tpu.memory_space<vmem_shared>> -> memref<16x64xf32, #tpu.memory_space<vmem_shared>>
      tpu.enqueue_dma source(%arg7 : memref<16x64xf32, #tpu.memory_space<vmem>>) target(%dma_start3A_475 : memref<16x64xf32, #tpu.memory_space<vmem_shared>>) target_semaphore(%run_scoped3A : memref<!tpu.dma_semaphore, #tpu.memory_space<semaphore_mem>>)
      %dma_wait3A = arith.constant 0 : i32
      %dma_wait3A_476 = tpu.memref_slice %arg8[%mul3A_468, %dma_wait3A] : memref<256x64xf32, #tpu.memory_space<vmem_shared>> -> memref<16x64xf32, #tpu.memory_space<vmem_shared>>
      %dma_wait3A_477 = arith.constant 0 : i32
      %dma_wait3A_478 = tpu.memref_slice %arg8[%mul3A_468, %dma_wait3A_477] : memref<256x64xf32, #tpu.memory_space<vmem_shared>> -> memref<16x64xf32, #tpu.memory_space<vmem_shared>>
      tpu.wait_dma2 semaphore(%run_scoped3A : memref<!tpu.dma_semaphore, #tpu.memory_space<semaphore_mem>>) src(%arg7 : memref<16x64xf32, #tpu.memory_space<vmem>>) dst(%dma_wait3A_478 : memref<16x64xf32, #tpu.memory_space<vmem_shared>>)
      tpu.yield
    }) : () -> ()
    "tpu.region"() ({
      %run_scoped3A = tpu.sem_alloc : memref<!tpu.dma_semaphore, #tpu.memory_space<semaphore_mem>>
      %dma_start3A = arith.constant 0 : i32
      %dma_start3A_473 = arith.constant 0 : i32
      %dma_start3A_474 = tpu.memref_slice %arg8[%dma_start3A, %dma_start3A_473] : memref<256x64xf32, #tpu.memory_space<vmem_shared>> -> memref<256x64xf32, #tpu.memory_space<vmem_shared>>
      tpu.enqueue_indirect_dma source(%arg6 : memref<1024x64xf32, #tpu.memory_space<vmem>>) target(%dma_start3A_474 : memref<256x64xf32, #tpu.memory_space<vmem_shared>>) offsets(%arg5 : memref<1024xi32, #tpu.memory_space<vmem>>) semaphore(%run_scoped3A : memref<!tpu.dma_semaphore, #tpu.memory_space<semaphore_mem>>) {add = true}
      %dma_wait3A = arith.constant 0 : i32
      %dma_wait3A_475 = arith.constant 0 : i32
      %dma_wait3A_476 = tpu.memref_slice %arg8[%dma_wait3A, %dma_wait3A_475] : memref<256x64xf32, #tpu.memory_space<vmem_shared>> -> memref<256x64xf32, #tpu.memory_space<vmem_shared>>
      tpu.wait_indirect_dma semaphore(%run_scoped3A : memref<!tpu.dma_semaphore, #tpu.memory_space<semaphore_mem>>) src(%arg6 : memref<1024x64xf32, #tpu.memory_space<vmem>>) dst(%dma_wait3A_476 : memref<256x64xf32, #tpu.memory_space<vmem_shared>>)
      tpu.yield
    }) : () -> ()
    %mul3A_469 = arith.constant 16 : i32
    %mul3A_470 = arith.muli %arg1, %mul3A_469 : i32
    %mul3A_471 = arith.constant 16 : i32
    %mul3A_472 = arith.muli %add3A, %mul3A_471 : i32
    "tpu.region"() ({
      %run_scoped3A = tpu.sem_alloc : memref<!tpu.dma_semaphore, #tpu.memory_space<semaphore_mem>>
      %dma_start3A = arith.constant 0 : i32
      %dma_start3A_473 = tpu.memref_slice %arg4[%mul3A_472, %dma_start3A] : memref<512x64xf32, #tpu.memory_space<hbm>> -> memref<16x64xf32, #tpu.memory_space<hbm>>
      %dma_start3A_474 = arith.constant 0 : i32
      %dma_start3A_475 = tpu.memref_slice %arg8[%mul3A_470, %dma_start3A_474] : memref<256x64xf32, #tpu.memory_space<vmem_shared>> -> memref<16x64xf32, #tpu.memory_space<vmem_shared>>
      tpu.enqueue_dma source(%dma_start3A_475 : memref<16x64xf32, #tpu.memory_space<vmem_shared>>) target(%dma_start3A_473 : memref<16x64xf32, #tpu.memory_space<hbm>>) target_semaphore(%run_scoped3A : memref<!tpu.dma_semaphore, #tpu.memory_space<semaphore_mem>>)
      %dma_wait3A = arith.constant 0 : i32
      %dma_wait3A_476 = tpu.memref_slice %arg4[%mul3A_472, %dma_wait3A] : memref<512x64xf32, #tpu.memory_space<hbm>> -> memref<16x64xf32, #tpu.memory_space<hbm>>
      %dma_wait3A_477 = arith.constant 0 : i32
      %dma_wait3A_478 = tpu.memref_slice %arg8[%mul3A_470, %dma_wait3A_477] : memref<256x64xf32, #tpu.memory_space<vmem_shared>> -> memref<16x64xf32, #tpu.memory_space<vmem_shared>>
      tpu.wait_dma2 semaphore(%run_scoped3A : memref<!tpu.dma_semaphore, #tpu.memory_space<semaphore_mem>>) src(%dma_wait3A_478 : memref<16x64xf32, #tpu.memory_space<vmem_shared>>) dst(%dma_wait3A_476 : memref<16x64xf32, #tpu.memory_space<hbm>>)
      tpu.yield
    }) : () -> ()
    return
  }
}

module attributes {stable_mosaic.version = 14 : i64} {
  func.func @_encoder_body(%arg0: i32, %arg1: memref<3x4096xi32, #tpu.memory_space<vmem>>, %arg2: memref<8x4096xf32, #tpu.memory_space<vmem>>, %arg3: memref<8x16xf32, #tpu.memory_space<vmem>>, %arg4: memref<1x16xf32, #tpu.memory_space<vmem>>, %arg5: memref<16x32xf32, #tpu.memory_space<vmem>>, %arg6: memref<1x32xf32, #tpu.memory_space<vmem>>, %arg7: memref<32x64xf32, #tpu.memory_space<vmem>>, %arg8: memref<1x64xf32, #tpu.memory_space<vmem>>, %arg9: memref<2048x128xf32, #tpu.memory_space<vmem>>, %arg10: memref<32x128xi32, #tpu.memory_space<vmem>>, %arg11: memref<32x128xi32, #tpu.memory_space<vmem>>) attributes {dimension_semantics = [#tpu.dimension_semantics<arbitrary>], iteration_bounds = array<i64: 8>, scalar_prefetch = 0 : i64, scratch_operands = 0 : i64, tpu.core_type = #tpu.core_type<tc>, window_params = [{transform_indices = @transform_0, window_bounds = array<i64: 3, 4096>}, {transform_indices = @transform_1, window_bounds = array<i64: 8, 4096>}, {pipeline_mode = #tpu.pipeline_mode<synchronous>, transform_indices = @transform_2, window_bounds = array<i64: 8, 16>}, {pipeline_mode = #tpu.pipeline_mode<synchronous>, transform_indices = @transform_3, window_bounds = array<i64: 1, 16>}, {pipeline_mode = #tpu.pipeline_mode<synchronous>, transform_indices = @transform_4, window_bounds = array<i64: 16, 32>}, {pipeline_mode = #tpu.pipeline_mode<synchronous>, transform_indices = @transform_5, window_bounds = array<i64: 1, 32>}, {pipeline_mode = #tpu.pipeline_mode<synchronous>, transform_indices = @transform_6, window_bounds = array<i64: 32, 64>}, {pipeline_mode = #tpu.pipeline_mode<synchronous>, transform_indices = @transform_7, window_bounds = array<i64: 1, 64>}, {transform_indices = @transform_8, window_bounds = array<i64: 2048, 128>}, {transform_indices = @transform_9, window_bounds = array<i64: 32, 128>}, {transform_indices = @transform_10, window_bounds = array<i64: 32, 128>}]} {
    %get3A = arith.constant 0 : index
    %get3A_0 = arith.constant 0 : index
    %get3A_1 = vector.load %arg2[%get3A, %get3A_0] : memref<8x4096xf32, #tpu.memory_space<vmem>>, vector<8x4096xf32>
    %get3A_2 = arith.constant 0 : index
    %get3A_3 = arith.constant 0 : index
    %get3A_4 = vector.load %arg3[%get3A_2, %get3A_3] : memref<8x16xf32, #tpu.memory_space<vmem>>, vector<8x16xf32>
    %dot_general3A = arith.constant dense<0.000000e+00> : vector<16x4096xf32>
    %dot_general3A_5 = tpu.matmul %get3A_4, %get3A_1, %dot_general3A {dimension_numbers = #tpu.dot_dimension_numbers<[0], [0], [1], [1], [0, 1, 1, 1], [], []>, transpose_lhs_hint = false} : vector<8x16xf32>, vector<8x4096xf32>, vector<16x4096xf32> -> vector<16x4096xf32>
    %get3A_6 = arith.constant 0 : index
    %get3A_7 = arith.constant 0 : index
    %get3A_8 = vector.load %arg4[%get3A_6, %get3A_7] : memref<1x16xf32, #tpu.memory_space<vmem>>, vector<1x16xf32>
    %transpose3A = tpu.transpose %get3A_8, [1, 0] : vector<1x16xf32> -> vector<16x1xf32>
    %add3A = vector.broadcast %transpose3A : vector<16x1xf32> to vector<16x4096xf32>
    %add3A_9 = arith.addf %dot_general3A_5, %add3A : vector<16x4096xf32>
    %max3A = arith.constant 0.000000e+00 : f32
    %max3A_10 = vector.broadcast %max3A : f32 to vector<16x4096xf32>
    %max3A_11 = arith.maximumf %add3A_9, %max3A_10 : vector<16x4096xf32>
    %get3A_12 = arith.constant 0 : index
    %get3A_13 = arith.constant 0 : index
    %get3A_14 = vector.load %arg5[%get3A_12, %get3A_13] : memref<16x32xf32, #tpu.memory_space<vmem>>, vector<16x32xf32>
    %dot_general3A_15 = arith.constant dense<0.000000e+00> : vector<32x4096xf32>
    %dot_general3A_16 = tpu.matmul %get3A_14, %max3A_11, %dot_general3A_15 {dimension_numbers = #tpu.dot_dimension_numbers<[0], [0], [1], [1], [0, 1, 1, 1], [], []>, transpose_lhs_hint = false} : vector<16x32xf32>, vector<16x4096xf32>, vector<32x4096xf32> -> vector<32x4096xf32>
    %get3A_17 = arith.constant 0 : index
    %get3A_18 = arith.constant 0 : index
    %get3A_19 = vector.load %arg6[%get3A_17, %get3A_18] : memref<1x32xf32, #tpu.memory_space<vmem>>, vector<1x32xf32>
    %transpose3A_20 = tpu.transpose %get3A_19, [1, 0] : vector<1x32xf32> -> vector<32x1xf32>
    %add3A_21 = vector.broadcast %transpose3A_20 : vector<32x1xf32> to vector<32x4096xf32>
    %add3A_22 = arith.addf %dot_general3A_16, %add3A_21 : vector<32x4096xf32>
    %max3A_23 = arith.constant 0.000000e+00 : f32
    %max3A_24 = vector.broadcast %max3A_23 : f32 to vector<32x4096xf32>
    %max3A_25 = arith.maximumf %add3A_22, %max3A_24 : vector<32x4096xf32>
    %get3A_26 = arith.constant 0 : index
    %get3A_27 = arith.constant 0 : index
    %get3A_28 = vector.load %arg7[%get3A_26, %get3A_27] : memref<32x64xf32, #tpu.memory_space<vmem>>, vector<32x64xf32>
    %get3A_29 = arith.constant 0 : index
    %get3A_30 = arith.constant 0 : index
    %get3A_31 = vector.load %arg8[%get3A_29, %get3A_30] : memref<1x64xf32, #tpu.memory_space<vmem>>, vector<1x64xf32>
    %slice3A = vector.extract_strided_slice %max3A_25 {offsets = [0, 0], sizes = [32, 2048], strides = [1, 1]} : vector<32x4096xf32> to vector<32x2048xf32>
    %dot_general3A_32 = arith.constant dense<0.000000e+00> : vector<2048x64xf32>
    %dot_general3A_33 = tpu.matmul %slice3A, %get3A_28, %dot_general3A_32 {dimension_numbers = #tpu.dot_dimension_numbers<[0], [0], [1], [1], [0, 1, 1, 1], [], []>, transpose_lhs_hint = false} : vector<32x2048xf32>, vector<32x64xf32>, vector<2048x64xf32> -> vector<2048x64xf32>
    %slice3A_34 = vector.extract_strided_slice %max3A_25 {offsets = [0, 2048], sizes = [32, 2048], strides = [1, 1]} : vector<32x4096xf32> to vector<32x2048xf32>
    %dot_general3A_35 = arith.constant dense<0.000000e+00> : vector<2048x64xf32>
    %dot_general3A_36 = tpu.matmul %slice3A_34, %get3A_28, %dot_general3A_35 {dimension_numbers = #tpu.dot_dimension_numbers<[0], [0], [1], [1], [0, 1, 1, 1], [], []>, transpose_lhs_hint = false} : vector<32x2048xf32>, vector<32x64xf32>, vector<2048x64xf32> -> vector<2048x64xf32>
    %add3A_37 = vector.broadcast %get3A_31 : vector<1x64xf32> to vector<2048x64xf32>
    %add3A_38 = arith.addf %dot_general3A_33, %add3A_37 : vector<2048x64xf32>
    %max3A_39 = arith.constant 0.000000e+00 : f32
    %max3A_40 = vector.broadcast %max3A_39 : f32 to vector<2048x64xf32>
    %max3A_41 = arith.maximumf %add3A_38, %max3A_40 : vector<2048x64xf32>
    %swap3A = arith.constant 0 : index
    %swap3A_42 = arith.constant 0 : index
    %swap3A_43 = vector.load %arg9[%swap3A, %swap3A_42] : memref<2048x128xf32, #tpu.memory_space<vmem>>, vector<2048x64xf32>
    tpu.vector_store %arg9[%swap3A, %swap3A_42], %max3A_41 {strides = array<i32>} : memref<2048x128xf32, #tpu.memory_space<vmem>>, vector<2048x64xf32>,
    %add3A_44 = vector.broadcast %get3A_31 : vector<1x64xf32> to vector<2048x64xf32>
    %add3A_45 = arith.addf %dot_general3A_36, %add3A_44 : vector<2048x64xf32>
    %max3A_46 = arith.constant 0.000000e+00 : f32
    %max3A_47 = vector.broadcast %max3A_46 : f32 to vector<2048x64xf32>
    %max3A_48 = arith.maximumf %add3A_45, %max3A_47 : vector<2048x64xf32>
    %swap3A_49 = arith.constant 0 : index
    %swap3A_50 = arith.constant 64 : index
    %swap3A_51 = vector.load %arg9[%swap3A_49, %swap3A_50] : memref<2048x128xf32, #tpu.memory_space<vmem>>, vector<2048x64xf32>
    tpu.vector_store %arg9[%swap3A_49, %swap3A_50], %max3A_48 {strides = array<i32>} : memref<2048x128xf32, #tpu.memory_space<vmem>>, vector<2048x64xf32>,
    %get3A_52 = arith.constant 0 : index
    %get3A_53 = arith.constant 0 : index
    %get3A_54 = vector.load %arg1[%get3A_52, %get3A_53] : memref<3x4096xi32, #tpu.memory_space<vmem>>, vector<3x4096xi32>
    %slice3A_55 = vector.extract_strided_slice %get3A_54 {offsets = [0, 0], sizes = [1, 4096], strides = [1, 1]} : vector<3x4096xi32> to vector<1x4096xi32>
    %squeeze3A = vector.shape_cast %slice3A_55 : vector<1x4096xi32> to vector<4096xi32>
    %reshape3A = vector.shape_cast %squeeze3A : vector<4096xi32> to vector<32x128xi32>
    %swap3A_56 = arith.constant 0 : index
    %swap3A_57 = arith.constant 0 : index
    %swap3A_58 = vector.load %arg10[%swap3A_56, %swap3A_57] : memref<32x128xi32, #tpu.memory_space<vmem>>, vector<32x128xi32>
    tpu.vector_store %arg10[%swap3A_56, %swap3A_57], %reshape3A {strides = array<i32>} : memref<32x128xi32, #tpu.memory_space<vmem>>, vector<32x128xi32>,
    %iota3A = tpu.iota {dimensions = array<i32: 0>} : vector<32x128xi32>
    %mul3A = arith.constant 128 : i32
    %mul3A_59 = vector.broadcast %mul3A : i32 to vector<32x128xi32>
    %mul3A_60 = arith.muli %iota3A, %mul3A_59 : vector<32x128xi32>
    %iota3A_61 = tpu.iota {dimensions = array<i32: 1>} : vector<32x128xi32>
    %add3A_62 = arith.addi %mul3A_60, %iota3A_61 : vector<32x128xi32>
    %jit3A = arith.constant 2048 : i32
    %div3A = vector.broadcast %jit3A : i32 to vector<32x128xi32>
    %div3A_63 = arith.divsi %add3A_62, %div3A : vector<32x128xi32>
    %sign3A = arith.constant 0 : i32
    %sign3A_64 = vector.broadcast %sign3A : i32 to vector<32x128xi32>
    %sign3A_65 = arith.cmpi sgt, %add3A_62, %sign3A_64 : vector<32x128xi32>
    %sign3A_66 = arith.extui %sign3A_65 : vector<32x128xi1> to vector<32x128xi32>
    %sign3A_67 = arith.constant 0 : i32
    %sign3A_68 = vector.broadcast %sign3A_67 : i32 to vector<32x128xi32>
    %sign3A_69 = arith.cmpi slt, %add3A_62, %sign3A_68 : vector<32x128xi32>
    %sign3A_70 = arith.extui %sign3A_69 : vector<32x128xi1> to vector<32x128xi32>
    %sign3A_71 = arith.subi %sign3A_66, %sign3A_70 : vector<32x128xi32>
    %sign3A_72 = arith.constant 0 : i32
    %sign3A_73 = arith.cmpi sgt, %jit3A, %sign3A_72 : i32
    %sign3A_74 = arith.extui %sign3A_73 : i1 to i32
    %sign3A_75 = arith.constant 0 : i32
    %sign3A_76 = arith.cmpi slt, %jit3A, %sign3A_75 : i32
    %sign3A_77 = arith.extui %sign3A_76 : i1 to i32
    %sign3A_78 = arith.subi %sign3A_74, %sign3A_77 : i32
    %ne3A = vector.broadcast %sign3A_78 : i32 to vector<32x128xi32>
    %ne3A_79 = arith.cmpi ne, %sign3A_71, %ne3A : vector<32x128xi32>
    %rem3A = vector.broadcast %jit3A : i32 to vector<32x128xi32>
    %rem3A_80 = arith.remsi %add3A_62, %rem3A : vector<32x128xi32>
    %ne3A_81 = arith.constant 0 : i32
    %ne3A_82 = vector.broadcast %ne3A_81 : i32 to vector<32x128xi32>
    %ne3A_83 = arith.cmpi ne, %rem3A_80, %ne3A_82 : vector<32x128xi32>
    %and3A = arith.andi %ne3A_79, %ne3A_83 : vector<32x128xi1>
    %sub3A = arith.constant 1 : i32
    %sub3A_84 = vector.broadcast %sub3A : i32 to vector<32x128xi32>
    %sub3A_85 = arith.subi %div3A_63, %sub3A_84 : vector<32x128xi32>
    %select_n3A = arith.select %and3A, %sub3A_85, %div3A_63 : vector<32x128xi1>, vector<32x128xi32>
    %mul3A_86 = arith.constant 16 : i32
    %mul3A_87 = vector.broadcast %mul3A_86 : i32 to vector<32x128xi32>
    %mul3A_88 = arith.muli %select_n3A, %mul3A_87 : vector<32x128xi32>
    %mul3A_89 = arith.constant 2 : i32
    %mul3A_90 = arith.muli %mul3A_89, %arg0 : i32
    %add3A_91 = vector.broadcast %mul3A_90 : i32 to vector<32x128xi32>
    %add3A_92 = arith.addi %mul3A_88, %add3A_91 : vector<32x128xi32>
    %jit3A_93 = arith.constant 2048 : i32
    %eq3A = arith.constant 0 : i32
    %eq3A_94 = arith.cmpi eq, %jit3A_93, %eq3A : i32
    %jit3A_95 = arith.constant 1 : i32
    %select_n3A_96 = arith.select %eq3A_94, %jit3A_95, %jit3A_93 : i32
    %rem3A_97 = vector.broadcast %select_n3A_96 : i32 to vector<32x128xi32>
    %rem3A_98 = arith.remsi %add3A_62, %rem3A_97 : vector<32x128xi32>
    %ne3A_99 = arith.constant 0 : i32
    %ne3A_100 = vector.broadcast %ne3A_99 : i32 to vector<32x128xi32>
    %ne3A_101 = arith.cmpi ne, %rem3A_98, %ne3A_100 : vector<32x128xi32>
    %lt3A = arith.constant 0 : i32
    %lt3A_102 = vector.broadcast %lt3A : i32 to vector<32x128xi32>
    %lt3A_103 = arith.cmpi slt, %rem3A_98, %lt3A_102 : vector<32x128xi32>
    %lt3A_104 = arith.constant 0 : i32
    %lt3A_105 = arith.cmpi slt, %select_n3A_96, %lt3A_104 : i32
    %ne3A_106 = vector.broadcast %lt3A_105 : i1 to vector<32x128xi1>
    %ne3A_107 = vector.broadcast %ne3A_106 : vector<32x128xi1> to vector<32x128xi1>
    %ne3A_108 = arith.xori %lt3A_103, %ne3A_107 : vector<32x128xi1>
    %and3A_109 = arith.andi %ne3A_108, %ne3A_101 : vector<32x128xi1>
    %add3A_110 = vector.broadcast %select_n3A_96 : i32 to vector<32x128xi32>
    %add3A_111 = arith.addi %rem3A_98, %add3A_110 : vector<32x128xi32>
    %select_n3A_112 = arith.select %and3A_109, %add3A_111, %rem3A_98 : vector<32x128xi1>, vector<32x128xi32>
    %jit3A_113 = arith.constant 1024 : i32
    %div3A_114 = vector.broadcast %jit3A_113 : i32 to vector<32x128xi32>
    %div3A_115 = arith.divsi %select_n3A_112, %div3A_114 : vector<32x128xi32>
    %sign3A_116 = arith.constant 0 : i32
    %sign3A_117 = vector.broadcast %sign3A_116 : i32 to vector<32x128xi32>
    %sign3A_118 = arith.cmpi sgt, %select_n3A_112, %sign3A_117 : vector<32x128xi32>
    %sign3A_119 = arith.extui %sign3A_118 : vector<32x128xi1> to vector<32x128xi32>
    %sign3A_120 = arith.constant 0 : i32
    %sign3A_121 = vector.broadcast %sign3A_120 : i32 to vector<32x128xi32>
    %sign3A_122 = arith.cmpi slt, %select_n3A_112, %sign3A_121 : vector<32x128xi32>
    %sign3A_123 = arith.extui %sign3A_122 : vector<32x128xi1> to vector<32x128xi32>
    %sign3A_124 = arith.subi %sign3A_119, %sign3A_123 : vector<32x128xi32>
    %sign3A_125 = arith.constant 0 : i32
    %sign3A_126 = arith.cmpi sgt, %jit3A_113, %sign3A_125 : i32
    %sign3A_127 = arith.extui %sign3A_126 : i1 to i32
    %sign3A_128 = arith.constant 0 : i32
    %sign3A_129 = arith.cmpi slt, %jit3A_113, %sign3A_128 : i32
    %sign3A_130 = arith.extui %sign3A_129 : i1 to i32
    %sign3A_131 = arith.subi %sign3A_127, %sign3A_130 : i32
    %ne3A_132 = vector.broadcast %sign3A_131 : i32 to vector<32x128xi32>
    %ne3A_133 = arith.cmpi ne, %sign3A_124, %ne3A_132 : vector<32x128xi32>
    %rem3A_134 = vector.broadcast %jit3A_113 : i32 to vector<32x128xi32>
    %rem3A_135 = arith.remsi %select_n3A_112, %rem3A_134 : vector<32x128xi32>
    %ne3A_136 = arith.constant 0 : i32
    %ne3A_137 = vector.broadcast %ne3A_136 : i32 to vector<32x128xi32>
    %ne3A_138 = arith.cmpi ne, %rem3A_135, %ne3A_137 : vector<32x128xi32>
    %and3A_139 = arith.andi %ne3A_133, %ne3A_138 : vector<32x128xi1>
    %sub3A_140 = arith.constant 1 : i32
    %sub3A_141 = vector.broadcast %sub3A_140 : i32 to vector<32x128xi32>
    %sub3A_142 = arith.subi %div3A_115, %sub3A_141 : vector<32x128xi32>
    %select_n3A_143 = arith.select %and3A_139, %sub3A_142, %div3A_115 : vector<32x128xi1>, vector<32x128xi32>
    %add3A_144 = arith.addi %add3A_92, %select_n3A_143 : vector<32x128xi32>
    %jit3A_145 = arith.constant 2 : i32
    %div3A_146 = vector.broadcast %jit3A_145 : i32 to vector<32x128xi32>
    %div3A_147 = arith.divsi %add3A_144, %div3A_146 : vector<32x128xi32>
    %sign3A_148 = arith.constant 0 : i32
    %sign3A_149 = vector.broadcast %sign3A_148 : i32 to vector<32x128xi32>
    %sign3A_150 = arith.cmpi sgt, %add3A_144, %sign3A_149 : vector<32x128xi32>
    %sign3A_151 = arith.extui %sign3A_150 : vector<32x128xi1> to vector<32x128xi32>
    %sign3A_152 = arith.constant 0 : i32
    %sign3A_153 = vector.broadcast %sign3A_152 : i32 to vector<32x128xi32>
    %sign3A_154 = arith.cmpi slt, %add3A_144, %sign3A_153 : vector<32x128xi32>
    %sign3A_155 = arith.extui %sign3A_154 : vector<32x128xi1> to vector<32x128xi32>
    %sign3A_156 = arith.subi %sign3A_151, %sign3A_155 : vector<32x128xi32>
    %sign3A_157 = arith.constant 0 : i32
    %sign3A_158 = arith.cmpi sgt, %jit3A_145, %sign3A_157 : i32
    %sign3A_159 = arith.extui %sign3A_158 : i1 to i32
    %sign3A_160 = arith.constant 0 : i32
    %sign3A_161 = arith.cmpi slt, %jit3A_145, %sign3A_160 : i32
    %sign3A_162 = arith.extui %sign3A_161 : i1 to i32
    %sign3A_163 = arith.subi %sign3A_159, %sign3A_162 : i32
    %ne3A_164 = vector.broadcast %sign3A_163 : i32 to vector<32x128xi32>
    %ne3A_165 = arith.cmpi ne, %sign3A_156, %ne3A_164 : vector<32x128xi32>
    %rem3A_166 = vector.broadcast %jit3A_145 : i32 to vector<32x128xi32>
    %rem3A_167 = arith.remsi %add3A_144, %rem3A_166 : vector<32x128xi32>
    %ne3A_168 = arith.constant 0 : i32
    %ne3A_169 = vector.broadcast %ne3A_168 : i32 to vector<32x128xi32>
    %ne3A_170 = arith.cmpi ne, %rem3A_167, %ne3A_169 : vector<32x128xi32>
    %and3A_171 = arith.andi %ne3A_165, %ne3A_170 : vector<32x128xi1>
    %sub3A_172 = arith.constant 1 : i32
    %sub3A_173 = vector.broadcast %sub3A_172 : i32 to vector<32x128xi32>
    %sub3A_174 = arith.subi %div3A_147, %sub3A_173 : vector<32x128xi32>
    %select_n3A_175 = arith.select %and3A_171, %sub3A_174, %div3A_147 : vector<32x128xi1>, vector<32x128xi32>
    %mul3A_176 = arith.constant 16 : i32
    %mul3A_177 = vector.broadcast %mul3A_176 : i32 to vector<32x128xi32>
    %mul3A_178 = arith.muli %select_n3A_175, %mul3A_177 : vector<32x128xi32>
    %add3A_179 = arith.addi %reshape3A, %mul3A_178 : vector<32x128xi32>
    %swap3A_180 = arith.constant 0 : index
    %swap3A_181 = arith.constant 0 : index
    %swap3A_182 = vector.load %arg11[%swap3A_180, %swap3A_181] : memref<32x128xi32, #tpu.memory_space<vmem>>, vector<32x128xi32>
    tpu.vector_store %arg11[%swap3A_180, %swap3A_181], %add3A_179 {strides = array<i32>} : memref<32x128xi32, #tpu.memory_space<vmem>>, vector<32x128xi32>,
    return
  }
  func.func @transform_0(%arg0: i32) -> (i32, i32) {
    %c0_i32 = arith.constant 0 : i32
    %c0_i32_0 = arith.constant 0 : i32
    return %c0_i32, %arg0 : i32, i32
  }
  func.func @transform_1(%arg0: i32) -> (i32, i32) {
    %c0_i32 = arith.constant 0 : i32
    %c0_i32_0 = arith.constant 0 : i32
    return %c0_i32, %arg0 : i32, i32
  }
  func.func @transform_2(%arg0: i32) -> (i32, i32) {
    %c0_i32 = arith.constant 0 : i32
    %c0_i32_0 = arith.constant 0 : i32
    %c0_i32_1 = arith.constant 0 : i32
    return %c0_i32, %c0_i32_0 : i32, i32
  }
  func.func @transform_3(%arg0: i32) -> (i32, i32) {
    %c0_i32 = arith.constant 0 : i32
    %c0_i32_0 = arith.constant 0 : i32
    %c0_i32_1 = arith.constant 0 : i32
    return %c0_i32, %c0_i32_0 : i32, i32
  }
  func.func @transform_4(%arg0: i32) -> (i32, i32) {
    %c0_i32 = arith.constant 0 : i32
    %c0_i32_0 = arith.constant 0 : i32
    %c0_i32_1 = arith.constant 0 : i32
    return %c0_i32, %c0_i32_0 : i32, i32
  }
  func.func @transform_5(%arg0: i32) -> (i32, i32) {
    %c0_i32 = arith.constant 0 : i32
    %c0_i32_0 = arith.constant 0 : i32
    %c0_i32_1 = arith.constant 0 : i32
    return %c0_i32, %c0_i32_0 : i32, i32
  }
  func.func @transform_6(%arg0: i32) -> (i32, i32) {
    %c0_i32 = arith.constant 0 : i32
    %c0_i32_0 = arith.constant 0 : i32
    %c0_i32_1 = arith.constant 0 : i32
    return %c0_i32, %c0_i32_0 : i32, i32
  }
  func.func @transform_7(%arg0: i32) -> (i32, i32) {
    %c0_i32 = arith.constant 0 : i32
    %c0_i32_0 = arith.constant 0 : i32
    %c0_i32_1 = arith.constant 0 : i32
    return %c0_i32, %c0_i32_0 : i32, i32
  }
  func.func @transform_8(%arg0: i32) -> (i32, i32) {
    %c0_i32 = arith.constant 0 : i32
    %c0_i32_0 = arith.constant 0 : i32
    return %arg0, %c0_i32 : i32, i32
  }
  func.func @transform_9(%arg0: i32) -> (i32, i32) {
    %c0_i32 = arith.constant 0 : i32
    %c0_i32_0 = arith.constant 0 : i32
    return %arg0, %c0_i32 : i32, i32
  }
  func.func @transform_10(%arg0: i32) -> (i32, i32) {
    %c0_i32 = arith.constant 0 : i32
    %c0_i32_0 = arith.constant 0 : i32
    return %arg0, %c0_i32 : i32, i32
  }
}

module attributes {stable_mosaic.version = 14 : i64} {
  func.func @_head_body(%arg0: memref<256x128xf32, #tpu.memory_space<vmem>>, %arg1: memref<256x128xi32, #tpu.memory_space<vmem>>, %arg2: memref<64x64xf32, #tpu.memory_space<vmem>>, %arg3: memref<1x64xf32, #tpu.memory_space<vmem>>, %arg4: memref<2x64xf32, #tpu.memory_space<vmem>>, %arg5: memref<1x2xf32, #tpu.memory_space<vmem>>, %arg6: memref<16x2xf32, #tpu.memory_space<vmem>>) attributes {dimension_semantics = [], scalar_prefetch = 0 : i64, scratch_operands = 0 : i64, tpu.core_type = #tpu.core_type<tc>} {
    %get3A = arith.constant 0 : index
    %get3A_0 = arith.constant 0 : index
    %get3A_1 = vector.load %arg0[%get3A, %get3A_0] : memref<256x128xf32, #tpu.memory_space<vmem>>, vector<256x128xf32>
    %iota3A = tpu.iota {dimensions = array<i32: 1>} : vector<16x256xi32>
    %iota3A_2 = tpu.iota {dimensions = array<i32: 0>} : vector<16x256xi32>
    %mul3A = arith.constant 2 : i32
    %mul3A_3 = vector.broadcast %mul3A : i32 to vector<16x256xi32>
    %mul3A_4 = arith.muli %mul3A_3, %iota3A : vector<16x256xi32>
    %jit3A = arith.constant 16 : i32
    %eq3A = arith.constant 0 : i32
    %eq3A_5 = arith.cmpi eq, %jit3A, %eq3A : i32
    %jit3A_6 = arith.constant 1 : i32
    %select_n3A = arith.select %eq3A_5, %jit3A_6, %jit3A : i32
    %rem3A = vector.broadcast %select_n3A : i32 to vector<16x256xi32>
    %rem3A_7 = arith.remsi %mul3A_4, %rem3A : vector<16x256xi32>
    %ne3A = arith.constant 0 : i32
    %ne3A_8 = vector.broadcast %ne3A : i32 to vector<16x256xi32>
    %ne3A_9 = arith.cmpi ne, %rem3A_7, %ne3A_8 : vector<16x256xi32>
    %lt3A = arith.constant 0 : i32
    %lt3A_10 = vector.broadcast %lt3A : i32 to vector<16x256xi32>
    %lt3A_11 = arith.cmpi slt, %rem3A_7, %lt3A_10 : vector<16x256xi32>
    %lt3A_12 = arith.constant 0 : i32
    %lt3A_13 = arith.cmpi slt, %select_n3A, %lt3A_12 : i32
    %ne3A_14 = vector.broadcast %lt3A_13 : i1 to vector<16x256xi1>
    %ne3A_15 = vector.broadcast %ne3A_14 : vector<16x256xi1> to vector<16x256xi1>
    %ne3A_16 = arith.xori %lt3A_11, %ne3A_15 : vector<16x256xi1>
    %and3A = arith.andi %ne3A_16, %ne3A_9 : vector<16x256xi1>
    %add3A = vector.broadcast %select_n3A : i32 to vector<16x256xi32>
    %add3A_17 = arith.addi %rem3A_7, %add3A : vector<16x256xi32>
    %select_n3A_18 = arith.select %and3A, %add3A_17, %rem3A_7 : vector<16x256xi1>, vector<16x256xi32>
    %eq3A_19 = arith.cmpi eq, %select_n3A_18, %iota3A_2 : vector<16x256xi32>
    %convert_element_type3A = arith.extui %eq3A_19 : vector<16x256xi1> to vector<16x256xi32>
    %convert_element_type3A_20 = arith.sitofp %convert_element_type3A : vector<16x256xi32> to vector<16x256xf32>
    %mul3A_21 = arith.constant 2 : i32
    %mul3A_22 = vector.broadcast %mul3A_21 : i32 to vector<16x256xi32>
    %mul3A_23 = arith.muli %mul3A_22, %iota3A : vector<16x256xi32>
    %add3A_24 = arith.constant 1 : i32
    %add3A_25 = vector.broadcast %add3A_24 : i32 to vector<16x256xi32>
    %add3A_26 = arith.addi %mul3A_23, %add3A_25 : vector<16x256xi32>
    %jit3A_27 = arith.constant 16 : i32
    %eq3A_28 = arith.constant 0 : i32
    %eq3A_29 = arith.cmpi eq, %jit3A_27, %eq3A_28 : i32
    %jit3A_30 = arith.constant 1 : i32
    %select_n3A_31 = arith.select %eq3A_29, %jit3A_30, %jit3A_27 : i32
    %rem3A_32 = vector.broadcast %select_n3A_31 : i32 to vector<16x256xi32>
    %rem3A_33 = arith.remsi %add3A_26, %rem3A_32 : vector<16x256xi32>
    %ne3A_34 = arith.constant 0 : i32
    %ne3A_35 = vector.broadcast %ne3A_34 : i32 to vector<16x256xi32>
    %ne3A_36 = arith.cmpi ne, %rem3A_33, %ne3A_35 : vector<16x256xi32>
    %lt3A_37 = arith.constant 0 : i32
    %lt3A_38 = vector.broadcast %lt3A_37 : i32 to vector<16x256xi32>
    %lt3A_39 = arith.cmpi slt, %rem3A_33, %lt3A_38 : vector<16x256xi32>
    %lt3A_40 = arith.constant 0 : i32
    %lt3A_41 = arith.cmpi slt, %select_n3A_31, %lt3A_40 : i32
    %ne3A_42 = vector.broadcast %lt3A_41 : i1 to vector<16x256xi1>
    %ne3A_43 = vector.broadcast %ne3A_42 : vector<16x256xi1> to vector<16x256xi1>
    %ne3A_44 = arith.xori %lt3A_39, %ne3A_43 : vector<16x256xi1>
    %and3A_45 = arith.andi %ne3A_44, %ne3A_36 : vector<16x256xi1>
    %add3A_46 = vector.broadcast %select_n3A_31 : i32 to vector<16x256xi32>
    %add3A_47 = arith.addi %rem3A_33, %add3A_46 : vector<16x256xi32>
    %select_n3A_48 = arith.select %and3A_45, %add3A_47, %rem3A_33 : vector<16x256xi1>, vector<16x256xi32>
    %eq3A_49 = arith.cmpi eq, %select_n3A_48, %iota3A_2 : vector<16x256xi32>
    %convert_element_type3A_50 = arith.extui %eq3A_49 : vector<16x256xi1> to vector<16x256xi32>
    %convert_element_type3A_51 = arith.sitofp %convert_element_type3A_50 : vector<16x256xi32> to vector<16x256xf32>
    %dot_general3A = arith.constant dense<0.000000e+00> : vector<16x128xf32>
    %dot_general3A_52 = tpu.matmul %convert_element_type3A_20, %get3A_1, %dot_general3A {dimension_numbers = #tpu.dot_dimension_numbers<[1], [0], [0], [1], [0, 0, 1, 1], [], []>, transpose_lhs_hint = false} : vector<16x256xf32>, vector<256x128xf32>, vector<16x128xf32> -> vector<16x128xf32>
    %dot_general3A_53 = arith.constant dense<0.000000e+00> : vector<16x128xf32>
    %dot_general3A_54 = tpu.matmul %convert_element_type3A_51, %get3A_1, %dot_general3A_53 {dimension_numbers = #tpu.dot_dimension_numbers<[1], [0], [0], [1], [0, 0, 1, 1], [], []>, transpose_lhs_hint = false} : vector<16x256xf32>, vector<256x128xf32>, vector<16x128xf32> -> vector<16x128xf32>
    %slice3A = vector.extract_strided_slice %dot_general3A_52 {offsets = [0, 0], sizes = [16, 64], strides = [1, 1]} : vector<16x128xf32> to vector<16x64xf32>
    %slice3A_55 = vector.extract_strided_slice %dot_general3A_54 {offsets = [0, 64], sizes = [16, 64], strides = [1, 1]} : vector<16x128xf32> to vector<16x64xf32>
    %add3A_56 = arith.addf %slice3A, %slice3A_55 : vector<16x64xf32>
    %get3A_57 = arith.constant 0 : index
    %get3A_58 = arith.constant 0 : index
    %get3A_59 = vector.load %arg1[%get3A_57, %get3A_58] : memref<256x128xi32, #tpu.memory_space<vmem>>, vector<256x128xi32>
    %eq3A_60 = arith.constant 0 : i32
    %eq3A_61 = vector.broadcast %eq3A_60 : i32 to vector<256x128xi32>
    %eq3A_62 = arith.cmpi eq, %get3A_59, %eq3A_61 : vector<256x128xi32>
    %jit3A_63 = arith.constant 1.000000e+00 : f32
    %jit3A_64 = arith.constant 0.000000e+00 : f32
    %broadcast_in_dim3A = vector.broadcast %jit3A_63 : f32 to vector<256x128xf32>
    %broadcast_in_dim3A_65 = vector.broadcast %jit3A_64 : f32 to vector<256x128xf32>
    %select_n3A_66 = arith.select %eq3A_62, %broadcast_in_dim3A, %broadcast_in_dim3A_65 : vector<256x128xi1>, vector<256x128xf32>
    %reduce_sum3A = vector.shape_cast %select_n3A_66 : vector<256x128xf32> to vector<1x256x128xf32>
    %reduce_sum3A_67 = arith.constant dense<0.000000e+00> : vector<1xf32>
    %reduce_sum3A_68 = vector.multi_reduction <add>, %reduce_sum3A, %reduce_sum3A_67 [1, 2] : vector<1x256x128xf32> to vector<1xf32>
    %reduce_sum3A_69 = vector.shape_cast %reduce_sum3A_68 : vector<1xf32> to vector<1x1x1xf32>
    %reduce_sum3A_70 = vector.extract %reduce_sum3A_69[0, 0, 0] : f32 from vector<1x1x1xf32>
    %eq3A_71 = arith.constant 1 : i32
    %eq3A_72 = vector.broadcast %eq3A_71 : i32 to vector<256x128xi32>
    %eq3A_73 = arith.cmpi eq, %get3A_59, %eq3A_72 : vector<256x128xi32>
    %jit3A_74 = arith.constant 1.000000e+00 : f32
    %jit3A_75 = arith.constant 0.000000e+00 : f32
    %broadcast_in_dim3A_76 = vector.broadcast %jit3A_74 : f32 to vector<256x128xf32>
    %broadcast_in_dim3A_77 = vector.broadcast %jit3A_75 : f32 to vector<256x128xf32>
    %select_n3A_78 = arith.select %eq3A_73, %broadcast_in_dim3A_76, %broadcast_in_dim3A_77 : vector<256x128xi1>, vector<256x128xf32>
    %reduce_sum3A_79 = vector.shape_cast %select_n3A_78 : vector<256x128xf32> to vector<1x256x128xf32>
    %reduce_sum3A_80 = arith.constant dense<0.000000e+00> : vector<1xf32>
    %reduce_sum3A_81 = vector.multi_reduction <add>, %reduce_sum3A_79, %reduce_sum3A_80 [1, 2] : vector<1x256x128xf32> to vector<1xf32>
    %reduce_sum3A_82 = vector.shape_cast %reduce_sum3A_81 : vector<1xf32> to vector<1x1x1xf32>
    %reduce_sum3A_83 = vector.extract %reduce_sum3A_82[0, 0, 0] : f32 from vector<1x1x1xf32>
    %eq3A_84 = arith.constant 2 : i32
    %eq3A_85 = vector.broadcast %eq3A_84 : i32 to vector<256x128xi32>
    %eq3A_86 = arith.cmpi eq, %get3A_59, %eq3A_85 : vector<256x128xi32>
    %jit3A_87 = arith.constant 1.000000e+00 : f32
    %jit3A_88 = arith.constant 0.000000e+00 : f32
    %broadcast_in_dim3A_89 = vector.broadcast %jit3A_87 : f32 to vector<256x128xf32>
    %broadcast_in_dim3A_90 = vector.broadcast %jit3A_88 : f32 to vector<256x128xf32>
    %select_n3A_91 = arith.select %eq3A_86, %broadcast_in_dim3A_89, %broadcast_in_dim3A_90 : vector<256x128xi1>, vector<256x128xf32>
    %reduce_sum3A_92 = vector.shape_cast %select_n3A_91 : vector<256x128xf32> to vector<1x256x128xf32>
    %reduce_sum3A_93 = arith.constant dense<0.000000e+00> : vector<1xf32>
    %reduce_sum3A_94 = vector.multi_reduction <add>, %reduce_sum3A_92, %reduce_sum3A_93 [1, 2] : vector<1x256x128xf32> to vector<1xf32>
    %reduce_sum3A_95 = vector.shape_cast %reduce_sum3A_94 : vector<1xf32> to vector<1x1x1xf32>
    %reduce_sum3A_96 = vector.extract %reduce_sum3A_95[0, 0, 0] : f32 from vector<1x1x1xf32>
    %eq3A_97 = arith.constant 3 : i32
    %eq3A_98 = vector.broadcast %eq3A_97 : i32 to vector<256x128xi32>
    %eq3A_99 = arith.cmpi eq, %get3A_59, %eq3A_98 : vector<256x128xi32>
    %jit3A_100 = arith.constant 1.000000e+00 : f32
    %jit3A_101 = arith.constant 0.000000e+00 : f32
    %broadcast_in_dim3A_102 = vector.broadcast %jit3A_100 : f32 to vector<256x128xf32>
    %broadcast_in_dim3A_103 = vector.broadcast %jit3A_101 : f32 to vector<256x128xf32>
    %select_n3A_104 = arith.select %eq3A_99, %broadcast_in_dim3A_102, %broadcast_in_dim3A_103 : vector<256x128xi1>, vector<256x128xf32>
    %reduce_sum3A_105 = vector.shape_cast %select_n3A_104 : vector<256x128xf32> to vector<1x256x128xf32>
    %reduce_sum3A_106 = arith.constant dense<0.000000e+00> : vector<1xf32>
    %reduce_sum3A_107 = vector.multi_reduction <add>, %reduce_sum3A_105, %reduce_sum3A_106 [1, 2] : vector<1x256x128xf32> to vector<1xf32>
    %reduce_sum3A_108 = vector.shape_cast %reduce_sum3A_107 : vector<1xf32> to vector<1x1x1xf32>
    %reduce_sum3A_109 = vector.extract %reduce_sum3A_108[0, 0, 0] : f32 from vector<1x1x1xf32>
    %eq3A_110 = arith.constant 4 : i32
    %eq3A_111 = vector.broadcast %eq3A_110 : i32 to vector<256x128xi32>
    %eq3A_112 = arith.cmpi eq, %get3A_59, %eq3A_111 : vector<256x128xi32>
    %jit3A_113 = arith.constant 1.000000e+00 : f32
    %jit3A_114 = arith.constant 0.000000e+00 : f32
    %broadcast_in_dim3A_115 = vector.broadcast %jit3A_113 : f32 to vector<256x128xf32>
    %broadcast_in_dim3A_116 = vector.broadcast %jit3A_114 : f32 to vector<256x128xf32>
    %select_n3A_117 = arith.select %eq3A_112, %broadcast_in_dim3A_115, %broadcast_in_dim3A_116 : vector<256x128xi1>, vector<256x128xf32>
    %reduce_sum3A_118 = vector.shape_cast %select_n3A_117 : vector<256x128xf32> to vector<1x256x128xf32>
    %reduce_sum3A_119 = arith.constant dense<0.000000e+00> : vector<1xf32>
    %reduce_sum3A_120 = vector.multi_reduction <add>, %reduce_sum3A_118, %reduce_sum3A_119 [1, 2] : vector<1x256x128xf32> to vector<1xf32>
    %reduce_sum3A_121 = vector.shape_cast %reduce_sum3A_120 : vector<1xf32> to vector<1x1x1xf32>
    %reduce_sum3A_122 = vector.extract %reduce_sum3A_121[0, 0, 0] : f32 from vector<1x1x1xf32>
    %eq3A_123 = arith.constant 5 : i32
    %eq3A_124 = vector.broadcast %eq3A_123 : i32 to vector<256x128xi32>
    %eq3A_125 = arith.cmpi eq, %get3A_59, %eq3A_124 : vector<256x128xi32>
    %jit3A_126 = arith.constant 1.000000e+00 : f32
    %jit3A_127 = arith.constant 0.000000e+00 : f32
    %broadcast_in_dim3A_128 = vector.broadcast %jit3A_126 : f32 to vector<256x128xf32>
    %broadcast_in_dim3A_129 = vector.broadcast %jit3A_127 : f32 to vector<256x128xf32>
    %select_n3A_130 = arith.select %eq3A_125, %broadcast_in_dim3A_128, %broadcast_in_dim3A_129 : vector<256x128xi1>, vector<256x128xf32>
    %reduce_sum3A_131 = vector.shape_cast %select_n3A_130 : vector<256x128xf32> to vector<1x256x128xf32>
    %reduce_sum3A_132 = arith.constant dense<0.000000e+00> : vector<1xf32>
    %reduce_sum3A_133 = vector.multi_reduction <add>, %reduce_sum3A_131, %reduce_sum3A_132 [1, 2] : vector<1x256x128xf32> to vector<1xf32>
    %reduce_sum3A_134 = vector.shape_cast %reduce_sum3A_133 : vector<1xf32> to vector<1x1x1xf32>
    %reduce_sum3A_135 = vector.extract %reduce_sum3A_134[0, 0, 0] : f32 from vector<1x1x1xf32>
    %eq3A_136 = arith.constant 6 : i32
    %eq3A_137 = vector.broadcast %eq3A_136 : i32 to vector<256x128xi32>
    %eq3A_138 = arith.cmpi eq, %get3A_59, %eq3A_137 : vector<256x128xi32>
    %jit3A_139 = arith.constant 1.000000e+00 : f32
    %jit3A_140 = arith.constant 0.000000e+00 : f32
    %broadcast_in_dim3A_141 = vector.broadcast %jit3A_139 : f32 to vector<256x128xf32>
    %broadcast_in_dim3A_142 = vector.broadcast %jit3A_140 : f32 to vector<256x128xf32>
    %select_n3A_143 = arith.select %eq3A_138, %broadcast_in_dim3A_141, %broadcast_in_dim3A_142 : vector<256x128xi1>, vector<256x128xf32>
    %reduce_sum3A_144 = vector.shape_cast %select_n3A_143 : vector<256x128xf32> to vector<1x256x128xf32>
    %reduce_sum3A_145 = arith.constant dense<0.000000e+00> : vector<1xf32>
    %reduce_sum3A_146 = vector.multi_reduction <add>, %reduce_sum3A_144, %reduce_sum3A_145 [1, 2] : vector<1x256x128xf32> to vector<1xf32>
    %reduce_sum3A_147 = vector.shape_cast %reduce_sum3A_146 : vector<1xf32> to vector<1x1x1xf32>
    %reduce_sum3A_148 = vector.extract %reduce_sum3A_147[0, 0, 0] : f32 from vector<1x1x1xf32>
    %eq3A_149 = arith.constant 7 : i32
    %eq3A_150 = vector.broadcast %eq3A_149 : i32 to vector<256x128xi32>
    %eq3A_151 = arith.cmpi eq, %get3A_59, %eq3A_150 : vector<256x128xi32>
    %jit3A_152 = arith.constant 1.000000e+00 : f32
    %jit3A_153 = arith.constant 0.000000e+00 : f32
    %broadcast_in_dim3A_154 = vector.broadcast %jit3A_152 : f32 to vector<256x128xf32>
    %broadcast_in_dim3A_155 = vector.broadcast %jit3A_153 : f32 to vector<256x128xf32>
    %select_n3A_156 = arith.select %eq3A_151, %broadcast_in_dim3A_154, %broadcast_in_dim3A_155 : vector<256x128xi1>, vector<256x128xf32>
    %reduce_sum3A_157 = vector.shape_cast %select_n3A_156 : vector<256x128xf32> to vector<1x256x128xf32>
    %reduce_sum3A_158 = arith.constant dense<0.000000e+00> : vector<1xf32>
    %reduce_sum3A_159 = vector.multi_reduction <add>, %reduce_sum3A_157, %reduce_sum3A_158 [1, 2] : vector<1x256x128xf32> to vector<1xf32>
    %reduce_sum3A_160 = vector.shape_cast %reduce_sum3A_159 : vector<1xf32> to vector<1x1x1xf32>
    %reduce_sum3A_161 = vector.extract %reduce_sum3A_160[0, 0, 0] : f32 from vector<1x1x1xf32>
    %eq3A_162 = arith.constant 8 : i32
    %eq3A_163 = vector.broadcast %eq3A_162 : i32 to vector<256x128xi32>
    %eq3A_164 = arith.cmpi eq, %get3A_59, %eq3A_163 : vector<256x128xi32>
    %jit3A_165 = arith.constant 1.000000e+00 : f32
    %jit3A_166 = arith.constant 0.000000e+00 : f32
    %broadcast_in_dim3A_167 = vector.broadcast %jit3A_165 : f32 to vector<256x128xf32>
    %broadcast_in_dim3A_168 = vector.broadcast %jit3A_166 : f32 to vector<256x128xf32>
    %select_n3A_169 = arith.select %eq3A_164, %broadcast_in_dim3A_167, %broadcast_in_dim3A_168 : vector<256x128xi1>, vector<256x128xf32>
    %reduce_sum3A_170 = vector.shape_cast %select_n3A_169 : vector<256x128xf32> to vector<1x256x128xf32>
    %reduce_sum3A_171 = arith.constant dense<0.000000e+00> : vector<1xf32>
    %reduce_sum3A_172 = vector.multi_reduction <add>, %reduce_sum3A_170, %reduce_sum3A_171 [1, 2] : vector<1x256x128xf32> to vector<1xf32>
    %reduce_sum3A_173 = vector.shape_cast %reduce_sum3A_172 : vector<1xf32> to vector<1x1x1xf32>
    %reduce_sum3A_174 = vector.extract %reduce_sum3A_173[0, 0, 0] : f32 from vector<1x1x1xf32>
    %eq3A_175 = arith.constant 9 : i32
    %eq3A_176 = vector.broadcast %eq3A_175 : i32 to vector<256x128xi32>
    %eq3A_177 = arith.cmpi eq, %get3A_59, %eq3A_176 : vector<256x128xi32>
    %jit3A_178 = arith.constant 1.000000e+00 : f32
    %jit3A_179 = arith.constant 0.000000e+00 : f32
    %broadcast_in_dim3A_180 = vector.broadcast %jit3A_178 : f32 to vector<256x128xf32>
    %broadcast_in_dim3A_181 = vector.broadcast %jit3A_179 : f32 to vector<256x128xf32>
    %select_n3A_182 = arith.select %eq3A_177, %broadcast_in_dim3A_180, %broadcast_in_dim3A_181 : vector<256x128xi1>, vector<256x128xf32>
    %reduce_sum3A_183 = vector.shape_cast %select_n3A_182 : vector<256x128xf32> to vector<1x256x128xf32>
    %reduce_sum3A_184 = arith.constant dense<0.000000e+00> : vector<1xf32>
    %reduce_sum3A_185 = vector.multi_reduction <add>, %reduce_sum3A_183, %reduce_sum3A_184 [1, 2] : vector<1x256x128xf32> to vector<1xf32>
    %reduce_sum3A_186 = vector.shape_cast %reduce_sum3A_185 : vector<1xf32> to vector<1x1x1xf32>
    %reduce_sum3A_187 = vector.extract %reduce_sum3A_186[0, 0, 0] : f32 from vector<1x1x1xf32>
    %eq3A_188 = arith.constant 10 : i32
    %eq3A_189 = vector.broadcast %eq3A_188 : i32 to vector<256x128xi32>
    %eq3A_190 = arith.cmpi eq, %get3A_59, %eq3A_189 : vector<256x128xi32>
    %jit3A_191 = arith.constant 1.000000e+00 : f32
    %jit3A_192 = arith.constant 0.000000e+00 : f32
    %broadcast_in_dim3A_193 = vector.broadcast %jit3A_191 : f32 to vector<256x128xf32>
    %broadcast_in_dim3A_194 = vector.broadcast %jit3A_192 : f32 to vector<256x128xf32>
    %select_n3A_195 = arith.select %eq3A_190, %broadcast_in_dim3A_193, %broadcast_in_dim3A_194 : vector<256x128xi1>, vector<256x128xf32>
    %reduce_sum3A_196 = vector.shape_cast %select_n3A_195 : vector<256x128xf32> to vector<1x256x128xf32>
    %reduce_sum3A_197 = arith.constant dense<0.000000e+00> : vector<1xf32>
    %reduce_sum3A_198 = vector.multi_reduction <add>, %reduce_sum3A_196, %reduce_sum3A_197 [1, 2] : vector<1x256x128xf32> to vector<1xf32>
    %reduce_sum3A_199 = vector.shape_cast %reduce_sum3A_198 : vector<1xf32> to vector<1x1x1xf32>
    %reduce_sum3A_200 = vector.extract %reduce_sum3A_199[0, 0, 0] : f32 from vector<1x1x1xf32>
    %eq3A_201 = arith.constant 11 : i32
    %eq3A_202 = vector.broadcast %eq3A_201 : i32 to vector<256x128xi32>
    %eq3A_203 = arith.cmpi eq, %get3A_59, %eq3A_202 : vector<256x128xi32>
    %jit3A_204 = arith.constant 1.000000e+00 : f32
    %jit3A_205 = arith.constant 0.000000e+00 : f32
    %broadcast_in_dim3A_206 = vector.broadcast %jit3A_204 : f32 to vector<256x128xf32>
    %broadcast_in_dim3A_207 = vector.broadcast %jit3A_205 : f32 to vector<256x128xf32>
    %select_n3A_208 = arith.select %eq3A_203, %broadcast_in_dim3A_206, %broadcast_in_dim3A_207 : vector<256x128xi1>, vector<256x128xf32>
    %reduce_sum3A_209 = vector.shape_cast %select_n3A_208 : vector<256x128xf32> to vector<1x256x128xf32>
    %reduce_sum3A_210 = arith.constant dense<0.000000e+00> : vector<1xf32>
    %reduce_sum3A_211 = vector.multi_reduction <add>, %reduce_sum3A_209, %reduce_sum3A_210 [1, 2] : vector<1x256x128xf32> to vector<1xf32>
    %reduce_sum3A_212 = vector.shape_cast %reduce_sum3A_211 : vector<1xf32> to vector<1x1x1xf32>
    %reduce_sum3A_213 = vector.extract %reduce_sum3A_212[0, 0, 0] : f32 from vector<1x1x1xf32>
    %eq3A_214 = arith.constant 12 : i32
    %eq3A_215 = vector.broadcast %eq3A_214 : i32 to vector<256x128xi32>
    %eq3A_216 = arith.cmpi eq, %get3A_59, %eq3A_215 : vector<256x128xi32>
    %jit3A_217 = arith.constant 1.000000e+00 : f32
    %jit3A_218 = arith.constant 0.000000e+00 : f32
    %broadcast_in_dim3A_219 = vector.broadcast %jit3A_217 : f32 to vector<256x128xf32>
    %broadcast_in_dim3A_220 = vector.broadcast %jit3A_218 : f32 to vector<256x128xf32>
    %select_n3A_221 = arith.select %eq3A_216, %broadcast_in_dim3A_219, %broadcast_in_dim3A_220 : vector<256x128xi1>, vector<256x128xf32>
    %reduce_sum3A_222 = vector.shape_cast %select_n3A_221 : vector<256x128xf32> to vector<1x256x128xf32>
    %reduce_sum3A_223 = arith.constant dense<0.000000e+00> : vector<1xf32>
    %reduce_sum3A_224 = vector.multi_reduction <add>, %reduce_sum3A_222, %reduce_sum3A_223 [1, 2] : vector<1x256x128xf32> to vector<1xf32>
    %reduce_sum3A_225 = vector.shape_cast %reduce_sum3A_224 : vector<1xf32> to vector<1x1x1xf32>
    %reduce_sum3A_226 = vector.extract %reduce_sum3A_225[0, 0, 0] : f32 from vector<1x1x1xf32>
    %eq3A_227 = arith.constant 13 : i32
    %eq3A_228 = vector.broadcast %eq3A_227 : i32 to vector<256x128xi32>
    %eq3A_229 = arith.cmpi eq, %get3A_59, %eq3A_228 : vector<256x128xi32>
    %jit3A_230 = arith.constant 1.000000e+00 : f32
    %jit3A_231 = arith.constant 0.000000e+00 : f32
    %broadcast_in_dim3A_232 = vector.broadcast %jit3A_230 : f32 to vector<256x128xf32>
    %broadcast_in_dim3A_233 = vector.broadcast %jit3A_231 : f32 to vector<256x128xf32>
    %select_n3A_234 = arith.select %eq3A_229, %broadcast_in_dim3A_232, %broadcast_in_dim3A_233 : vector<256x128xi1>, vector<256x128xf32>
    %reduce_sum3A_235 = vector.shape_cast %select_n3A_234 : vector<256x128xf32> to vector<1x256x128xf32>
    %reduce_sum3A_236 = arith.constant dense<0.000000e+00> : vector<1xf32>
    %reduce_sum3A_237 = vector.multi_reduction <add>, %reduce_sum3A_235, %reduce_sum3A_236 [1, 2] : vector<1x256x128xf32> to vector<1xf32>
    %reduce_sum3A_238 = vector.shape_cast %reduce_sum3A_237 : vector<1xf32> to vector<1x1x1xf32>
    %reduce_sum3A_239 = vector.extract %reduce_sum3A_238[0, 0, 0] : f32 from vector<1x1x1xf32>
    %eq3A_240 = arith.constant 14 : i32
    %eq3A_241 = vector.broadcast %eq3A_240 : i32 to vector<256x128xi32>
    %eq3A_242 = arith.cmpi eq, %get3A_59, %eq3A_241 : vector<256x128xi32>
    %jit3A_243 = arith.constant 1.000000e+00 : f32
    %jit3A_244 = arith.constant 0.000000e+00 : f32
    %broadcast_in_dim3A_245 = vector.broadcast %jit3A_243 : f32 to vector<256x128xf32>
    %broadcast_in_dim3A_246 = vector.broadcast %jit3A_244 : f32 to vector<256x128xf32>
    %select_n3A_247 = arith.select %eq3A_242, %broadcast_in_dim3A_245, %broadcast_in_dim3A_246 : vector<256x128xi1>, vector<256x128xf32>
    %reduce_sum3A_248 = vector.shape_cast %select_n3A_247 : vector<256x128xf32> to vector<1x256x128xf32>
    %reduce_sum3A_249 = arith.constant dense<0.000000e+00> : vector<1xf32>
    %reduce_sum3A_250 = vector.multi_reduction <add>, %reduce_sum3A_248, %reduce_sum3A_249 [1, 2] : vector<1x256x128xf32> to vector<1xf32>
    %reduce_sum3A_251 = vector.shape_cast %reduce_sum3A_250 : vector<1xf32> to vector<1x1x1xf32>
    %reduce_sum3A_252 = vector.extract %reduce_sum3A_251[0, 0, 0] : f32 from vector<1x1x1xf32>
    %eq3A_253 = arith.constant 15 : i32
    %eq3A_254 = vector.broadcast %eq3A_253 : i32 to vector<256x128xi32>
    %eq3A_255 = arith.cmpi eq, %get3A_59, %eq3A_254 : vector<256x128xi32>
    %jit3A_256 = arith.constant 1.000000e+00 : f32
    %jit3A_257 = arith.constant 0.000000e+00 : f32
    %broadcast_in_dim3A_258 = vector.broadcast %jit3A_256 : f32 to vector<256x128xf32>
    %broadcast_in_dim3A_259 = vector.broadcast %jit3A_257 : f32 to vector<256x128xf32>
    %select_n3A_260 = arith.select %eq3A_255, %broadcast_in_dim3A_258, %broadcast_in_dim3A_259 : vector<256x128xi1>, vector<256x128xf32>
    %reduce_sum3A_261 = vector.shape_cast %select_n3A_260 : vector<256x128xf32> to vector<1x256x128xf32>
    %reduce_sum3A_262 = arith.constant dense<0.000000e+00> : vector<1xf32>
    %reduce_sum3A_263 = vector.multi_reduction <add>, %reduce_sum3A_261, %reduce_sum3A_262 [1, 2] : vector<1x256x128xf32> to vector<1xf32>
    %reduce_sum3A_264 = vector.shape_cast %reduce_sum3A_263 : vector<1xf32> to vector<1x1x1xf32>
    %reduce_sum3A_265 = vector.extract %reduce_sum3A_264[0, 0, 0] : f32 from vector<1x1x1xf32>
    %stack3A = vector.broadcast %reduce_sum3A_70 : f32 to vector<1xf32>
    %stack3A_266 = vector.broadcast %reduce_sum3A_83 : f32 to vector<1xf32>
    %stack3A_267 = vector.broadcast %reduce_sum3A_96 : f32 to vector<1xf32>
    %stack3A_268 = vector.broadcast %reduce_sum3A_109 : f32 to vector<1xf32>
    %stack3A_269 = vector.broadcast %reduce_sum3A_122 : f32 to vector<1xf32>
    %stack3A_270 = vector.broadcast %reduce_sum3A_135 : f32 to vector<1xf32>
    %stack3A_271 = vector.broadcast %reduce_sum3A_148 : f32 to vector<1xf32>
    %stack3A_272 = vector.broadcast %reduce_sum3A_161 : f32 to vector<1xf32>
    %stack3A_273 = vector.broadcast %reduce_sum3A_174 : f32 to vector<1xf32>
    %stack3A_274 = vector.broadcast %reduce_sum3A_187 : f32 to vector<1xf32>
    %stack3A_275 = vector.broadcast %reduce_sum3A_200 : f32 to vector<1xf32>
    %stack3A_276 = vector.broadcast %reduce_sum3A_213 : f32 to vector<1xf32>
    %stack3A_277 = vector.broadcast %reduce_sum3A_226 : f32 to vector<1xf32>
    %stack3A_278 = vector.broadcast %reduce_sum3A_239 : f32 to vector<1xf32>
    %stack3A_279 = vector.broadcast %reduce_sum3A_252 : f32 to vector<1xf32>
    %stack3A_280 = vector.broadcast %reduce_sum3A_265 : f32 to vector<1xf32>
    %stack3A_281 = tpu.concatenate %stack3A, %stack3A_266, %stack3A_267, %stack3A_268, %stack3A_269, %stack3A_270, %stack3A_271, %stack3A_272, %stack3A_273, %stack3A_274, %stack3A_275, %stack3A_276, %stack3A_277, %stack3A_278, %stack3A_279, %stack3A_280 in 0 : vector<1xf32>, vector<1xf32>, vector<1xf32>, vector<1xf32>, vector<1xf32>, vector<1xf32>, vector<1xf32>, vector<1xf32>, vector<1xf32>, vector<1xf32>, vector<1xf32>, vector<1xf32>, vector<1xf32>, vector<1xf32>, vector<1xf32>, vector<1xf32> -> vector<16xf32>
    %reshape3A = vector.shape_cast %stack3A_281 : vector<16xf32> to vector<16x1xf32>
    %max3A = arith.constant 1.000000e+00 : f32
    %max3A_282 = vector.broadcast %max3A : f32 to vector<16x1xf32>
    %max3A_283 = arith.maximumf %reshape3A, %max3A_282 : vector<16x1xf32>
    %div3A = vector.broadcast %max3A_283 : vector<16x1xf32> to vector<16x64xf32>
    %div3A_284 = arith.divf %add3A_56, %div3A : vector<16x64xf32>
    %get3A_285 = arith.constant 0 : index
    %get3A_286 = arith.constant 0 : index
    %get3A_287 = vector.load %arg2[%get3A_285, %get3A_286] : memref<64x64xf32, #tpu.memory_space<vmem>>, vector<64x64xf32>
    %dot_general3A_288 = arith.constant dense<0.000000e+00> : vector<16x64xf32>
    %dot_general3A_289 = tpu.matmul %div3A_284, %get3A_287, %dot_general3A_288 {dimension_numbers = #tpu.dot_dimension_numbers<[1], [0], [0], [1], [0, 0, 1, 1], [], []>, transpose_lhs_hint = false} : vector<16x64xf32>, vector<64x64xf32>, vector<16x64xf32> -> vector<16x64xf32>
    %get3A_290 = arith.constant 0 : index
    %get3A_291 = arith.constant 0 : index
    %get3A_292 = vector.load %arg3[%get3A_290, %get3A_291] : memref<1x64xf32, #tpu.memory_space<vmem>>, vector<1x64xf32>
    %add3A_293 = vector.broadcast %get3A_292 : vector<1x64xf32> to vector<16x64xf32>
    %add3A_294 = arith.addf %dot_general3A_289, %add3A_293 : vector<16x64xf32>
    %max3A_295 = arith.constant 0.000000e+00 : f32
    %max3A_296 = vector.broadcast %max3A_295 : f32 to vector<16x64xf32>
    %max3A_297 = arith.maximumf %add3A_294, %max3A_296 : vector<16x64xf32>
    %get3A_298 = arith.constant 0 : index
    %get3A_299 = arith.constant 0 : index
    %get3A_300 = vector.load %arg4[%get3A_298, %get3A_299] : memref<2x64xf32, #tpu.memory_space<vmem>>, vector<2x64xf32>
    %dot_general3A_301 = arith.constant dense<0.000000e+00> : vector<16x2xf32>
    %dot_general3A_302 = tpu.matmul %max3A_297, %get3A_300, %dot_general3A_301 {dimension_numbers = #tpu.dot_dimension_numbers<[1], [1], [0], [0], [0, 0, 1, 0], [], []>, transpose_lhs_hint = false} : vector<16x64xf32>, vector<2x64xf32>, vector<16x2xf32> -> vector<16x2xf32>
    %get3A_303 = arith.constant 0 : index
    %get3A_304 = arith.constant 0 : index
    %get3A_305 = vector.load %arg5[%get3A_303, %get3A_304] : memref<1x2xf32, #tpu.memory_space<vmem>>, vector<1x2xf32>
    %add3A_306 = vector.broadcast %get3A_305 : vector<1x2xf32> to vector<16x2xf32>
    %add3A_307 = arith.addf %dot_general3A_302, %add3A_306 : vector<16x2xf32>
    %swap3A = arith.constant 0 : index
    %swap3A_308 = arith.constant 0 : index
    %swap3A_309 = vector.load %arg6[%swap3A, %swap3A_308] : memref<16x2xf32, #tpu.memory_space<vmem>>, vector<16x2xf32>
    tpu.vector_store %arg6[%swap3A, %swap3A_308], %add3A_307 {strides = array<i32>} : memref<16x2xf32, #tpu.memory_space<vmem>>, vector<16x2xf32>,
    return
  }
}

</mosaic_0001>

<sc_bundles>
// kernel: kernel.5.cloned.1.call-start
scs
__scs_entry_jumppad:
0x0: {  	(pc) =	sbr.rel $0x88, $3  }
0x1: {  	(tag) =	ssettag $0x0;
	lr =	simm.s32 $0x1  }
0x2: {  	[smem:$0x3F95] =	sst lr;
	_ =	strace $0xD0000000  }
0x3: {  	_ = 	snop  }
0x4: {  	_ = 	snop  }
0x5: {  	_ = 	snop  }
0x6: {  	_ = 	snop  }
0x7: {  	_ = 	snop  }
__scs_overlays_trampoline_lowered:
0x8: {  	[smem:$0x3FA4] =	sst s0  }
0x9: {  	[smem:$0x3FA5] =	sst s1  }
0xa: {  	[smem:$0x3FA6] =	sst s2  }
0xb: {  	[smem:$0x3FA7] =	sst s3  }
0xc: {  	[smem:$0x3FA8] =	sst s4  }
0xd: {  	[smem:$0x3FA9] =	sst s5  }
0xe: {  	[smem:$0x3FAA] =	sst s6  }
0xf: {  	[smem:$0x3FAB] =	sst s7  }
0x10: {  	[smem:$0x3FAC] =	sst s8  }
0x11: {  	[smem:$0x3FAD] =	sst s9;
	s0 =	simm.s32 @!p0 $0x0  }
0x12: {  	s1 =	sld [smem:$0x3F93];
	s0 =	simm.s32 @p0 $0x1  }
0x13: {  	[smem:$0x3FAE] =	sst s0;
	s0 =	simm.s32 @!p1 $0x0  }
0x14: {  	s2 =	sld [smem:$0x3F92];
	s0 =	simm.s32 @p1 $0x1  }
0x15: {  	[smem:$0x3FAF] =	sst s0;
	s0 =	simm.s32 @!p2 $0x0  }
0x16: {  	s3 =	sld [smem:$0x3FDB];
	s0 =	simm.s32 @p2 $0x1  }
0x17: {  	s4 =	simm.s32 $0x1BF5;
	[smem:$0x3FB1] =	sst s0  }
0x18: {  	s0 =	sld [smem:$0x3F94];
	_ =	swait.ge [sflag:s4], $0x0  }
0x19: {  	s7 =	sld [smem:$0x3F95]  }
0x1a: {  	s8 =	sadd.s32 $0xFFFFE003, lr  }
0x1b: {  	s9 =	sadd.s32 $0xFFFFFEF7, lr;
	s5 =	simm.s32 $0xFFFFFFFF;
	p2 =	slt.u32 s8, $0xFFFFF086  }
0x1c: {  	p1 =	slt.u32 s9, $0xF7A;
	s5 =	simm.s32 @!p2 $0x0  }
0x1d: {  	s5 =	simm.s32 @p1 $0x1;
	p0 =	seq.s32 s7, s2  }
0x1e: {  	s7 =	smul.u32 @!p0 $0xF7A, s2;
	p2 =	seq.s32 @!p0 s5, $0x0  }
0x1f: {  	s9 =	smul.u32 $0xF7A, s1;
	s8 =	simm.s32 @!p0 $0x1BF5;
	p2 =	por !p2, p0  }
0x20: {  	[sflag:s8] =	ssyncset.s32 @!p0 $0xFFFFF086;
	s6 =	sadd.s32 @!p0 s3, s7;
	s7 =	simm.s32 @!p0 $0x108  }
0x21: {  	s3 =	sadd.s32 s3, s9;
	s6 =	sadd.s32 @!p0 $0x88, s6;
	s7 =	simm.s32 @p2 $0x1082  }
0x22: {  	[simem:s7], [sflag:s8] =	dma.local @!p0 [hbm:s6], $0xF7A  }
0x23: {  	s9 =	sor.u32 $0xD0000000, s2;
	s6 =	simm.s32 $0x108;
	_ =	swait.ge @!p0 [sflag:s8], $0x0  }
0x24: {  	s3 =	sadd.s32 $0x88, s3;
	s6 =	simm.s32 @!p1 $0x1082;
	[sflag:s4] =	ssyncset.s32 $0xFFFFF086  }
0x25: {  	[simem:s6], [sflag:s4] =	dma.local [hbm:s3], $0xF7A  }
0x26: {  	[smem:$0x3F95] =	sst s1;
	(tag) =	ssettag s2;
	_ =	strace s9  }
0x27: {  	s1 =	sld [smem:$0x3FA5]  }
0x28: {  	s2 =	sld [smem:$0x3FA6]  }
0x29: {  	s4 =	sld [smem:$0x3FA8]  }
0x2a: {  	p0 =	seq.s32 s5, $0x0;
	s5 =	sld [smem:$0x3FA9]  }
0x2b: {  	s6 =	sld [smem:$0x3FAA]  }
0x2c: {  	s7 =	sld [smem:$0x3FAB]  }
0x2d: {  	s3 =	simm.s32 $0x108;
	s8 =	sld [smem:$0x3FAC]  }
0x2e: {  	s3 =	simm.s32 @!p0 $0x1082;
	s9 =	sld [smem:$0x3FAD]  }
0x2f: {  	lr =	sadd.s32 s0, s3;
	s0 =	sld [smem:$0x3FA4]  }
0x30: {  	s3 =	sld [smem:$0x3FA7]  }
0x31: {  	[smem:$0x3FB0] =	sst s10  }
0x32: {  	s10 =	sld [smem:$0x3FAE];
	_ =	sdelay $0x3  }
0x33: {  	p0 =	seq.s32 s10, $0x1;
	s10 =	sld [smem:$0x3FB0];
	_ =	sdelay $0x3  }
0x34: {  	[smem:$0x3FB0] =	sst s10  }
0x35: {  	s10 =	sld [smem:$0x3FAF];
	_ =	sdelay $0x3  }
0x36: {  	p1 =	seq.s32 s10, $0x1;
	s10 =	sld [smem:$0x3FB0];
	_ =	sdelay $0x3  }
0x37: {  	[smem:$0x3FB0] =	sst s10  }
0x38: {  	s10 =	sld [smem:$0x3FB1]  }
0x39: {  	_ = 	snop;
	(pc) =	sbr.ind lr, $3  }
0x3a: {  	_ = 	snop  }
0x3b: {  	_ = 	snop  }
0x3c: {  	p2 =	seq.s32 s10, $0x1;
	s10 =	sld [smem:$0x3FB0]  }
0x3d: {  	_ =	shalt  }
0x3e: {  	_ =	shalt  }
0x3f: {  	_ =	shalt  }
0x40: {  	_ =	shalt  }
0x41: {  	_ =	shalt  }
0x42: {  	_ =	shalt  }
0x43: {  	_ =	shalt  }
0x44: {  	_ =	shalt  }
0x45: {  	_ =	shalt  }
0x46: {  	_ =	shalt  }
0x47: {  	_ =	shalt  }
0x48: {  	_ =	shalt  }
0x49: {  	_ =	shalt  }
0x4a: {  	_ =	shalt  }
0x4b: {  	_ =	shalt  }
0x4c: {  	_ =	shalt  }
0x4d: {  	_ =	shalt  }
0x4e: {  	_ =	shalt  }
0x4f: {  	_ =	shalt  }
0x50: {  	_ =	shalt  }
0x51: {  	_ =	shalt  }
0x52: {  	_ =	shalt  }
0x53: {  	_ =	shalt  }
0x54: {  	_ =	shalt  }
0x55: {  	_ =	shalt  }
0x56: {  	_ =	shalt  }
0x57: {  	_ =	shalt  }
0x58: {  	_ =	shalt  }
0x59: {  	_ =	shalt  }
0x5a: {  	_ =	shalt  }
0x5b: {  	_ =	shalt  }
0x5c: {  	_ =	shalt  }
0x5d: {  	_ =	shalt  }
0x5e: {  	_ =	shalt  }
0x5f: {  	_ =	shalt  }
0x60: {  	_ =	shalt  }
0x61: {  	_ =	shalt  }
0x62: {  	_ =	shalt  }
0x63: {  	_ =	shalt  }
0x64: {  	_ =	shalt  }
0x65: {  	_ =	shalt  }
0x66: {  	_ =	shalt  }
0x67: {  	_ =	shalt  }
0x68: {  	_ =	shalt  }
0x69: {  	_ =	shalt  }
0x6a: {  	_ =	shalt  }
0x6b: {  	_ =	shalt  }
0x6c: {  	_ =	shalt  }
0x6d: {  	_ =	shalt  }
0x6e: {  	_ =	shalt  }
0x6f: {  	_ =	shalt  }
0x70: {  	_ =	shalt  }
0x71: {  	_ =	shalt  }
0x72: {  	_ =	shalt  }
0x73: {  	_ =	shalt  }
0x74: {  	_ =	shalt  }
0x75: {  	_ =	shalt  }
0x76: {  	_ =	shalt  }
0x77: {  	_ =	shalt  }
0x78: {  	_ =	shalt  }
0x79: {  	_ =	shalt  }
0x7a: {  	_ =	shalt  }
0x7b: {  	_ =	shalt  }
0x7c: {  	_ =	shalt  }
0x7d: {  	_ =	shalt  }
0x7e: {  	_ =	shalt  }
0x7f: {  	_ =	shalt  }
0x80: {  	_ =	shalt  }
0x81: {  	_ =	shalt  }
0x82: {  	_ =	shalt  }
0x83: {  	_ =	shalt  }
0x84: {  	_ =	shalt  }
0x85: {  	_ =	shalt  }
0x86: {  	_ =	shalt  }
0x87: {  	_ =	shalt  }
.Lfunc_end0:
.L_simem_size_0:
called_computation_lowered:
.L_overlay_start_0:
0x88: {  	s2 =	sld [smem:$0x3FD9]  }
0x89: {  	s3 =	sld [smem:$0x3FFE];
	_ =	sdelay $0x1  }
0x8a: {  	s1 =	srdreg.scid  }
0x8b: {  	s0 =	sand.u32 $0x1, s1  }
0x8c: {  	s16 =	sshll.u32 s0, $0xA;
	s2 =	sadd.s32 s3, s2  }
0x8d: {  	s2 =	sadd.s32 s2, s16  }
0x8e: {  	[smem:$0x3FBC] =	sst s2  }
0x8f: {  	_ = 	snop  }
0x90: {  	(tm) =	ssettm $0x1  }
0x91: {  	s17 =	sld [smem:$0x3FFB];
	_ =	sdelay $0x3  }
0x92: {  	_ =	strace s17  }
0x93: {  	s2 =	sld [smem:$0x3FFC];
	_ =	sdelay $0x3  }
0x94: {  	_ =	strace s2  }
0x95: {  	s2 =	sld [smem:$0x3FFD];
	_ =	sdelay $0x3  }
0x96: {  	_ =	strace s2  }
0x97: {  	_ =	strace $0x8FFFFFFF  }
0x98: {  	s18 =	sld [smem:$0x3FDB];
	_ =	sdelay $0x1  }
0x99: {  	s19 =	simm.s32 $_scs_section_size  }
0x9a: {  	s4 =	simm.s32 $_size__tile_overlayer_lowered;
	s5 =	simm.s32 $_tile_overlayer_lowered  }
0x9b: {  	s22 =	simm.s32 $0x1BFF;
	s21 =	sshll.u32 s5, $0x1;
	s2 =	sadd.s32 s19, s18  }
0x9c: {  	s6 =	simm.s32 $0x0;
	s20 =	sshll.u32 s4, $0x1;
	s4 =	sadd.s32 s21, s2  }
0x9d: {  	[timem:s6], [sflag:s22] =	dma.local [hbm:s4], s20  }
0x9e: {  	_ =	swait.ge [sflag:s22], s20  }
0x9f: {  	s3 =	ssub.s32 $0x0, s20;
	[sflag:s22] =	ssyncset.done $0x0  }
0xa0: {  	[sflag:s22] =	ssyncadd.s32 s3;
	_ =	sdelay $0x1  }
0xa1: {  	s23 =	simm.s32 $0x1B8B  }
0xa2: {  	_ =	swait.ge [sflag:s23], $0x1  }
0xa3: {  	[sflag:s23] =	ssyncset.done $0x0  }
0xa4: {  	s25 =	simm.s32 $0x1B8E;
	s24 =	sld [smem:$0x3FFE];
	[sflag:s23] =	ssyncadd.s32 $0xFFFFFFFF  }
0xa5: {  	s26 =	simm.s32 $execute0_lowered;
	[smem:$0x3FD2] =	sst s25  }
0xa6: {  	s4 =	sshll.u32 s26, $0x1;
	_ =	strace $0x80000046;
	[dreg:$0x1] =	wrdreg $0xFFFFFFFF  }
0xa7: {  	s28 =	simm.s32 $_size_execute0_lowered;
	s2 =	sadd.s32 s2, s4;
	[dreg:$0x0] =	wrdreg $0x0  }
0xa8: {  	s4 =	sshll.u32 s28, $0x1;
	[dreg:$0x2] =	wrdreg s2  }
0xa9: {  	[dreg:$0x3] =	wrdreg s4  }
0xaa: {  	[dreg:$0x4] =	wrdreg $0xC0  }
0xab: {  	_ =	task [dreg:s6], $0x5FFFF  }
0xac: {  	[dreg:$0x1] =	wrdreg $0xFFFFFFFF  }
0xad: {  	[dreg:$0x0] =	wrdreg $0x60  }
0xae: {  	[dreg:$0x2] =	wrdreg s24  }
0xaf: {  	[dreg:$0x3] =	wrdreg $0x108000  }
0xb0: {  	[dreg:$0x4] =	wrdreg $0x9  }
0xb1: {  	_ =	task.clear_ibuf [dreg:s6], $0x5FFFF;
	_ =	strace $0x90000046  }
0xb2: {  	s29 =	simm.s32 $0x9;
	_ =	strace $0x80000048  }
0xb3: {  	_ =	swait.ge [sflag:s29], $0x1  }
0xb4: {  	[sflag:s29] =	ssyncadd.s32 $0xFFFFFFFF  }
0xb5: {  	_ =	strace $0x90000048  }
0xb6: {  	_ =	sfence  }
0xb7: {  	s30 =	sld [smem:$0x0];
	_ =	sdelay $0x2  }
0xb8: {  	s31 =	sshll.u32 s1, $0xD;
	s1 =	sshrl.u32 s1, $0x2  }
0xb9: {  	s3 =	sand.u32 $0x4000, s31;
	s1 =	sadd.s32 s1, s30  }
0xba: {  	s0 =	sor.u32 s3, s0;
	s1 =	sshll.u32 s1, $0x11  }
0xbb: {  	s0 =	sor.u32 s1, s0  }
0xbc: {  	s0 =	sadd.s32 $0x8F2B, s0  }
0xbd: {  	[sflag:s0] =	ssyncadd.remote.s32 $0x1  }
0xbe: {  	_ =	sfence.sel $0xFFFF  }
0xbf: {  	[dreg:$0x0] =	wrdreg $0xFFFFFFFF;
	(pc) =	sbr.abs _section_cstart, $3  }
0xc0: {  	[dreg:$0x1] =	wrdreg $0xFFFFFFFF  }
0xc1: {  	_ =	task.clear_ibuf [dreg:s6], $0x2FFFF;
	_ =	strace $0x9FFFFFFF  }
0xc2: {  	(tm) =	ssettm $0x7FFFFFFF  }
0xc3: {  	_ =	shalt  }
tec
execute0_lowered:
.L_overlay_start_1:
0x0: {  	(tag) =	ssettag $0x1  }
0x1: {  	s4 =	rddreg [dreg:$0x0]  }
0x2: {  	s1 =	rddreg [dreg:$0x1]  }
0x3: {  	s0 =	rddreg [dreg:$0x2]  }
0x4: {  	s2 =	simm.s32 $0x0;
	s3 =	srdreg.scid;
	s12 =	simm.s32 $0x400  }
0x5: {  	s13 =	simm.s32 $0x10400;
	[smem:$0x7FF] =	sst s2;
	s5 =	sand.u32 $0x1, s3  }
0x6: {  	s3 =	stileid.u32;
	_ =	strace $0x80000047;
	s6 =	sshll.u32 s5, $0x7  }
0x7: {  	s7 =	sand.u32 $0x8, s3;
	s8 =	sshll.u32 s3, $0x1;
	s11 =	sshrl.u32 s3, $0x3  }
0x8: {  	s25 =	ssub.s32 $0x2, s5;
	s31 =	sshll.u32 s3, $0xA;
	s14 =	sshll.u32 s3, $0x6  }
0x9: {  	s6 =	sadd.s32 s6, s4;
	s7 =	sadd.s32 s7, s4;
	s9 =	sor.u32 s5, s8  }
0xa: {  	s8 =	sand.u32 $0xE, s8;
	s28 =	sshrl.u32 s25, $0x1;
	s14 =	sor.u32 $0x1C01, s14  }
0xb: {  	s10 =	sshll.u32 s9, $0x7;
	s26 =	sor.u32 s11, s8;
	s9 =	sshll.u32 s9, $0xE  }
0xc: {  	s8 =	ssub.s32 s25, s28;
	s11 =	simm.s32 $0x80;
	s10 =	sadd.s32 s10, s4  }
0xd: {  	s5 =	sshll.u32 s26, $0x8;
	s30 =	sand.u32 $0x3C000, s9;
	s8 =	smax.u32 s8, $0x1  }
0xe: {  	s9 =	simm.s32 $0x1;
	s29 =	sadd.s32 s5, s6;
	s5 =	sadd.s32 s30, s7  }
0xf: {  	s6 =	sadd.s32 s31, s1;
	s7 =	sadd.s32 $0x43400, s10;
	s10 =	simm.s32 $0x40  }
0x10: {  	v0 =	vimm.f32 $0.0e+00;
	s4 =	sadd.s32 $0x42400, s29;
	s5 =	sadd.s32 $0x2400, s5;
	s15 =	sshrl.u32 s6, $0x3  }
.LBB2_1:
0x11: {  	[tilespmem:s2], [sflag:$0x1] =	stream.linear.gather [hbm4b:s4+s2], $0x400, $0x38;
	[tilespmem:$0x10C00] =	vst v63  }
0x12: {  	_ =	swait.ge [sflag:s9], $0x400  }
0x13: {  	[sflag:s9] =	ssyncset.done $0x0  }
0x14: {  	[sflag:s9] =	ssyncadd.s32 $0xFFFFFC00  }
0x15: {  	[tilespmem:s12], [sflag:$0x1] =	stream.strided.gather [hbm4b:s5+s10], $0x10000, s11, s10, $0x38;
	[tilespmem:$0x10C00] =	vst v63  }
0x16: {  	_ =	swait.ge [sflag:s9], $0x10000  }
0x17: {  	[sflag:s9] =	ssyncset.done $0x0  }
0x18: {  	[sflag:s9] =	ssyncadd.s32 $0xFFFF0000  }
0x19: {  	[tilespmem:$0x10400] =	vst v0  }
0x1a: {  	[tilespmem:$0x10410] =	vst v0  }
0x1b: {  	[tilespmem:$0x10420] =	vst v0  }
0x1c: {  	[tilespmem:$0x10430] =	vst v0  }
0x1d: {  	[tilespmem:$0x10440] =	vst v0  }
0x1e: {  	[tilespmem:$0x10450] =	vst v0  }
0x1f: {  	[tilespmem:$0x10460] =	vst v0  }
0x20: {  	[tilespmem:$0x10470] =	vst v0  }
0x21: {  	[tilespmem:$0x10480] =	vst v0  }
0x22: {  	[tilespmem:$0x10490] =	vst v0  }
0x23: {  	[tilespmem:$0x104A0] =	vst v0  }
0x24: {  	[tilespmem:$0x104B0] =	vst v0  }
0x25: {  	[tilespmem:$0x104C0] =	vst v0  }
0x26: {  	[tilespmem:$0x104D0] =	vst v0  }
0x27: {  	[tilespmem:$0x104E0] =	vst v0  }
0x28: {  	[tilespmem:$0x104F0] =	vst v0  }
0x29: {  	[tilespmem:$0x10500] =	vst v0  }
0x2a: {  	[tilespmem:$0x10510] =	vst v0  }
0x2b: {  	[tilespmem:$0x10520] =	vst v0  }
0x2c: {  	[tilespmem:$0x10530] =	vst v0  }
0x2d: {  	[tilespmem:$0x10540] =	vst v0  }
0x2e: {  	[tilespmem:$0x10550] =	vst v0  }
0x2f: {  	[tilespmem:$0x10560] =	vst v0  }
0x30: {  	[tilespmem:$0x10570] =	vst v0  }
0x31: {  	[tilespmem:$0x10580] =	vst v0  }
0x32: {  	[tilespmem:$0x10590] =	vst v0  }
0x33: {  	[tilespmem:$0x105A0] =	vst v0  }
0x34: {  	[tilespmem:$0x105B0] =	vst v0  }
0x35: {  	[tilespmem:$0x105C0] =	vst v0  }
0x36: {  	[tilespmem:$0x105D0] =	vst v0  }
0x37: {  	[tilespmem:$0x105E0] =	vst v0  }
0x38: {  	[tilespmem:$0x105F0] =	vst v0  }
0x39: {  	[tilespmem:$0x10600] =	vst v0  }
0x3a: {  	[tilespmem:$0x10610] =	vst v0  }
0x3b: {  	[tilespmem:$0x10620] =	vst v0  }
0x3c: {  	[tilespmem:$0x10630] =	vst v0  }
0x3d: {  	[tilespmem:$0x10640] =	vst v0  }
0x3e: {  	[tilespmem:$0x10650] =	vst v0  }
0x3f: {  	[tilespmem:$0x10660] =	vst v0  }
0x40: {  	[tilespmem:$0x10670] =	vst v0  }
0x41: {  	[tilespmem:$0x10680] =	vst v0  }
0x42: {  	[tilespmem:$0x10690] =	vst v0  }
0x43: {  	[tilespmem:$0x106A0] =	vst v0  }
0x44: {  	[tilespmem:$0x106B0] =	vst v0  }
0x45: {  	[tilespmem:$0x106C0] =	vst v0  }
0x46: {  	[tilespmem:$0x106D0] =	vst v0  }
0x47: {  	[tilespmem:$0x106E0] =	vst v0  }
0x48: {  	[tilespmem:$0x106F0] =	vst v0  }
0x49: {  	[tilespmem:$0x10700] =	vst v0  }
0x4a: {  	[tilespmem:$0x10710] =	vst v0  }
0x4b: {  	[tilespmem:$0x10720] =	vst v0  }
0x4c: {  	[tilespmem:$0x10730] =	vst v0  }
0x4d: {  	[tilespmem:$0x10740] =	vst v0  }
0x4e: {  	[tilespmem:$0x10750] =	vst v0  }
0x4f: {  	[tilespmem:$0x10760] =	vst v0  }
0x50: {  	[tilespmem:$0x10770] =	vst v0  }
0x51: {  	[tilespmem:$0x10780] =	vst v0  }
0x52: {  	[tilespmem:$0x10790] =	vst v0  }
0x53: {  	[tilespmem:$0x107A0] =	vst v0  }
0x54: {  	[tilespmem:$0x107B0] =	vst v0  }
0x55: {  	[tilespmem:$0x107C0] =	vst v0  }
0x56: {  	[tilespmem:$0x107D0] =	vst v0  }
0x57: {  	[tilespmem:$0x107E0] =	vst v0  }
0x58: {  	[tilespmem:$0x107F0] =	vst v0  }
0x59: {  	[spmem:s6] =	stream.linear.scatter [tilespmem:s13], [sflag:$0x1], $0x400, $0x38;
	[tilespmem:$0x10C00] =	vst v63  }
0x5a: {  	_ =	swait.ge [sflag:s9], $0x400  }
0x5b: {  	[sflag:s9] =	ssyncset.done $0x0  }
0x5c: {  	[sflag:s9] =	ssyncadd.s32 $0xFFFFFC00  }
0x5d: {  	[spmem:s1] =	stream.indirect.scatter.add.f32 [tilespmem:s12], [sflag:$0x1], $0x40, s2, s12, $0xb8;
	[tilespmem:$0x10C00] =	vst v63  }
0x5e: {  	_ =	swait.ge [sflag:s9], $0x10000  }
0x5f: {  	p0 =	sne.s32 s8, $0x1;
	[sflag:s9] =	ssyncset.done $0x0  }
.Ltmp0:
0x60: {  	[sflag:s9] =	ssyncadd.s32 $0xFFFF0000;
	(pc) =	sbr.rel @p0 .LBB2_1-.Ltmp0, $4  }
0x61: {  	[hbm:s7], [sflag:s14] =	dma.local [spmem:s15], $0x80  }
0x62: {  	_ =	swait.ge [sflag:s9], $0x80  }
0x63: {  	[sflag:s9] =	ssyncset.done $0x0  }
0x64: {  	s8 =	sadd.s32 $0xFFFFFFFF, s8;
	[sflag:s9] =	ssyncadd.s32 $0xFFFFFF80  }
0x65: {  	_ =	sfence.sel $0x180000  }
0x66: {  	[bflag:$0x0] =	sbarrier.arrive $0xFFFF  }
0x67: {  	p0 =	sne.s32 s3, $0x0;
	_ =	strace $0x90000047  }
0x68: {  	s0 =	sadd.s32 @!p0 $0x100000, s0;
	[bflag:$0x2] =	sbarrier.arrive $0xFFFF  }
0x69: {  	[sflag:s0] =	ssyncadd.tile.s32 @!p0 $0x1;
	_ =	shalt  }
.Lfunc_end2:
_tile_overlayer_lowered:
.L_overlay_start_2:
0x6a: {  	(tag) =	ssettag $0x2  }
0x6b: {  	s0 =	rddreg [dreg:$0x0];
	s2 =	stileid.u32  }
0x6c: {  	s1 =	rddreg [dreg:$0x1];
	p0 =	sne.s32 s2, $0x0  }
0x6d: {  	s3 =	rddreg [dreg:$0x2];
	[bflag:$0x3] =	sbarrier.arrive $0xFFFF;
	s2 =	simm.s32 @!p0 $0x1C01  }
0x6e: {  	[timem:s3], [sflag:s2] =	dma.local @!p0 [hbm:s0], s1  }
0x6f: {  	s0 =	simm.s32 @!p0 $0x1  }
0x70: {  	_ =	swait.ge @!p0 [sflag:s0], s1  }
0x71: {  	s1 =	ssub.s32 @!p0 $0x0, s1;
	[sflag:s0] =	ssyncset.done @!p0 $0x0  }
0x72: {  	[sflag:s0] =	ssyncadd.s32 @!p0 s1  }
0x73: {  	[bflag:$0x3] =	sbarrier.arrive $0xFFFF  }
0x74: {  	_ =	shalt  }

</sc_bundles>
